<compile_context>
chip_gen: v7x
topology: tpu7x:2x2x1
jax: 0.10.2.dev20260603
libtpu: 0.0.44.dev20260713+nightly
codegen_flags: <defaults>
</compile_context>

<pallas_src>
import jax
import jax.numpy as jnp
from jax.experimental import pallas as pl
from jax.experimental.pallas import tpu as pltpu
from jax.experimental.pallas import tpu_sc as plsc

_LANES = 16
_BLOCK = 16384


def kernel(x, value):
    orig_shape = x.shape
    x1 = x.reshape(-1)
    n = x1.shape[0]
    v16 = jnp.broadcast_to(value, (_LANES,))
    mesh = plsc.VectorSubcoreMesh(core_axis_name="c", subcore_axis_name="s")

    @pl.kernel(
        out_type=jax.ShapeDtypeStruct((n,), x.dtype),
        mesh=mesh,
        scratch_types=[pltpu.VMEM((_LANES,), jnp.float32)],
    )
    def _sc_scale(x_hbm, v_hbm, o_hbm, v_vmem):
        pltpu.sync_copy(v_hbm, v_vmem)

        def body(x_vmem, o_vmem):
            inv = 1.0 / v_vmem[...]

            @pl.loop(0, _BLOCK, step=_LANES, unroll=8)
            def _(c):
                o_vmem[pl.ds(c, _LANES)] = x_vmem[pl.ds(c, _LANES)] * inv

        pltpu.emit_pipeline(
            body,
            grid=(n // _BLOCK,),
            in_specs=[pl.BlockSpec((_BLOCK,), lambda i: (i,))],
            out_specs=[pl.BlockSpec((_BLOCK,), lambda i: (i,))],
            core_axis_name=("c", "s"),
            dimension_semantics=(pltpu.PARALLEL,),
        )(x_hbm, o_hbm)

    return _sc_scale(x1, v16).reshape(orig_shape)

# --- scband reference (transcript-rebuilt; emitter-appended) ---
"""Pipeline reference for scband-running-scale-70738111365233 (READ-ONLY COPY).

The authoritative reference and input builder live on the scoring server;
editing this copy changes nothing except your own understanding.
"""

import jax, jax.numpy as jnp
import numpy as np


def setup_inputs(seed: int = 0) -> dict:
    key = jax.random.key(seed)
    x = jax.random.normal(key, (4, 8192, 2048), dtype=jnp.float32)
    # buffer _value initialized to ones(1) in __init__; no update performed
    value = jnp.ones((1,), dtype=jnp.float32)
    return {"x": x, "value": value}


def reference(x, value):
    # RunningScale.forward with update=False: simply divide by the tracked scale.
    return x / value

if __name__ == "__main__":
    import jax
    _d = setup_inputs()
    print(jax.jit(kernel)(*tuple(_d.values())))

</pallas_src>

<mosaic_0001>
#map = affine_map<(d0, d1) -> (0)>
module attributes {stable_mosaic.version = 14 : i64} {
  func.func @_sc_scale(%arg0: i32, %arg1: i32, %arg2: memref<67108864xf32, #tpu.memory_space<hbm>>, %arg3: memref<16xf32, #tpu.memory_space<hbm>>, %arg4: memref<67108864xf32, #tpu.memory_space<hbm>>, %arg5: memref<16xf32, #tpu.memory_space<vmem>>) attributes {dimension_semantics = [#tpu.dimension_semantics<core_parallel>, #tpu.dimension_semantics<subcore_parallel>], iteration_bounds = array<i64: 2, 16>, scalar_prefetch = 0 : i64, scratch_operands = 1 : i64, tpu.core_type = #tpu.core_type<sc_vector_subcore>, window_params = [{transform_indices = #map}, {transform_indices = #map}, {transform_indices = #map}]} {
    "tpu.region"() ({
      %run_scoped3A = tpu.sem_alloc : memref<!tpu.dma_semaphore, #tpu.memory_space<semaphore_mem>>
      tpu.enqueue_dma source(%arg3 : memref<16xf32, #tpu.memory_space<hbm>>) target(%arg5 : memref<16xf32, #tpu.memory_space<vmem>>) target_semaphore(%run_scoped3A : memref<!tpu.dma_semaphore, #tpu.memory_space<semaphore_mem>>)
      tpu.wait_dma2 semaphore(%run_scoped3A : memref<!tpu.dma_semaphore, #tpu.memory_space<semaphore_mem>>) src(%arg3 : memref<16xf32, #tpu.memory_space<hbm>>) dst(%arg5 : memref<16xf32, #tpu.memory_space<vmem>>)
      tpu.yield
    }) : () -> ()
    %mul3A = arith.constant 1 : i32
    %mul3A_0 = arith.muli %arg1, %mul3A : i32
    %add3A = arith.constant 0 : i32
    %add3A_1 = arith.addi %add3A, %mul3A_0 : i32
    %mul3A_2 = arith.constant 16 : i32
    %mul3A_3 = arith.muli %arg0, %mul3A_2 : i32
    %add3A_4 = arith.addi %add3A_1, %mul3A_3 : i32
    %mul3A_5 = arith.constant 128 : i32
    %mul3A_6 = arith.muli %add3A_4, %mul3A_5 : i32
    "tpu.region"() ({
      %run_scoped3A = memref.alloca() : memref<32768xf32, #tpu.memory_space<vmem>>
      %run_scoped3A_7 = tpu.sem_alloc : memref<2x!tpu.dma_semaphore, #tpu.memory_space<semaphore_mem>>
      %run_scoped3A_8 = memref.alloca() : memref<32768xf32, #tpu.memory_space<vmem>>
      %run_scoped3A_9 = tpu.sem_alloc : memref<2x!tpu.dma_semaphore, #tpu.memory_space<semaphore_mem>>
      %add3A_10 = arith.constant 0 : i32
      %add3A_11 = arith.addi %add3A_10, %mul3A_6 : i32
      %select_n3A = arith.constant true
      %select_n3A_12 = arith.constant 0 : i32
      %select_n3A_13 = arith.constant -1 : i32
      %select_n3A_14 = arith.select %select_n3A, %select_n3A_13, %select_n3A_12 : i32
      %eq3A = arith.constant -1 : i32
      %eq3A_15 = arith.cmpi eq, %select_n3A_14, %eq3A : i32
      %select_n3A_16 = arith.constant 127 : i32
      %select_n3A_17 = arith.select %eq3A_15, %select_n3A_16, %select_n3A_14 : i32
      %add3A_18 = arith.addi %select_n3A_17, %mul3A_6 : i32
      %select_n3A_19 = arith.constant true
      %select_n3A_20 = arith.constant 0 : i32
      %select_n3A_21 = arith.constant 1 : i32
      %select_n3A_22 = arith.select %select_n3A_19, %select_n3A_21, %select_n3A_20 : i32
      %eq3A_23 = arith.constant 128 : i32
      %eq3A_24 = arith.cmpi eq, %select_n3A_22, %eq3A_23 : i32
      %select_n3A_25 = arith.constant 0 : i32
      %select_n3A_26 = arith.select %eq3A_24, %select_n3A_25, %select_n3A_22 : i32
      %add3A_27 = arith.addi %select_n3A_26, %mul3A_6 : i32
      %add3A_28 = arith.constant 1 : i32
      %add3A_29 = arith.addi %select_n3A_26, %add3A_28 : i32
      %select_n3A_30 = arith.constant true
      %select_n3A_31 = arith.select %select_n3A_30, %add3A_29, %select_n3A_26 : i32
      %eq3A_32 = arith.constant 128 : i32
      %eq3A_33 = arith.cmpi eq, %select_n3A_31, %eq3A_32 : i32
      %select_n3A_34 = arith.constant 0 : i32
      %select_n3A_35 = arith.select %eq3A_33, %select_n3A_34, %select_n3A_31 : i32
      %add3A_36 = arith.addi %select_n3A_35, %mul3A_6 : i32
      "tpu.trace_start"() <{level = 10 : i32, message = "ep_initialize_0"}> : () -> ()
      %rem3A = arith.constant 0 : i32
      %rem3A_37 = arith.constant 2 : i32
      %rem3A_38 = arith.remui %rem3A, %rem3A_37 : i32
      %mul3A_39 = arith.constant 16384 : i32
      %mul3A_40 = arith.muli %mul3A_39, %add3A_11 : i32
      %mul3A_41 = arith.constant 16384 : i32
      %mul3A_42 = arith.muli %rem3A_38, %mul3A_41 : i32
      %add3A_43 = arith.constant 0 : i32
      %add3A_44 = arith.addi %mul3A_42, %add3A_43 : i32
      %dma_start3A = tpu.memref_slice %run_scoped3A[%add3A_44] : memref<32768xf32, #tpu.memory_space<vmem>> -> memref<16384xf32, #tpu.memory_space<vmem>>
      %dma_start3A_45 = tpu.memref_slice %arg2[%mul3A_40] : memref<67108864xf32, #tpu.memory_space<hbm>> -> memref<16384xf32, #tpu.memory_space<hbm>>
      %dma_start3A_46 = tpu.memref_slice %run_scoped3A_7[%rem3A_38] : memref<2x!tpu.dma_semaphore, #tpu.memory_space<semaphore_mem>> -> memref<1x!tpu.dma_semaphore, #tpu.memory_space<semaphore_mem>>
      %dma_start3A_47 = tpu.memref_squeeze %dma_start3A_46 : memref<1x!tpu.dma_semaphore, #tpu.memory_space<semaphore_mem>> -> memref<!tpu.dma_semaphore, #tpu.memory_space<semaphore_mem>>
      %dma_start3A_48 = tpu.memref_slice %run_scoped3A[%add3A_44] : memref<32768xf32, #tpu.memory_space<vmem>> -> memref<16384xf32, #tpu.memory_space<vmem>>
      %dma_start3A_49 = tpu.memref_slice %arg2[%mul3A_40] : memref<67108864xf32, #tpu.memory_space<hbm>> -> memref<16384xf32, #tpu.memory_space<hbm>>
      tpu.enqueue_dma source(%dma_start3A_49 : memref<16384xf32, #tpu.memory_space<hbm>>) target(%dma_start3A_48 : memref<16384xf32, #tpu.memory_space<vmem>>) target_semaphore(%dma_start3A_47 : memref<!tpu.dma_semaphore, #tpu.memory_space<semaphore_mem>>)
      %add3A_50 = arith.constant 0 : i32
      %add3A_51 = arith.constant 1 : i32
      %add3A_52 = arith.addi %add3A_50, %add3A_51 : i32
      %select_n3A_53 = arith.constant true
      %select_n3A_54 = arith.constant 0 : i32
      %select_n3A_55 = arith.select %select_n3A_53, %add3A_52, %select_n3A_54 : i32
      "tpu.trace_stop"() : () -> ()
      %scan3A = arith.constant 0 : i32
      %scan3A_56 = arith.constant 0 : i32
      %scan3A_57 = arith.constant 0 : i32
      %scan3A_58 = arith.constant 0 : i32
      %scan3A_59 = arith.constant 0 : i32
      %scan3A_60 = arith.constant 128 : i32
      %scan3A_61 = arith.addi %scan3A_59, %scan3A_60 : i32
      %scan3A_62 = arith.constant 1 : i32
      %scan3A_63:5 = scf.for %scan3A_113 = %scan3A_59 to %scan3A_61 step %scan3A_62 iter_args(%scan3A_114 = %select_n3A_55, %scan3A_115 = %scan3A, %scan3A_116 = %scan3A_56, %scan3A_117 = %scan3A_57, %scan3A_118 = %scan3A_58) -> (i32, i32, i32, i32, i32)  : i32 {
        %eq3A_119 = arith.constant 0 : i32
        %eq3A_120 = arith.cmpi eq, %scan3A_113, %eq3A_119 : i32
        %eq3A_121 = arith.constant 127 : i32
        %eq3A_122 = arith.cmpi eq, %scan3A_113, %eq3A_121 : i32
        %add3A_123 = arith.addi %scan3A_118, %mul3A_6 : i32
        %sub3A_124 = arith.constant 1 : i32
        %sub3A_125 = arith.subi %scan3A_118, %sub3A_124 : i32
        %select_n3A_126 = arith.constant true
        %select_n3A_127 = arith.select %select_n3A_126, %sub3A_125, %scan3A_118 : i32
        %eq3A_128 = arith.constant -1 : i32
        %eq3A_129 = arith.cmpi eq, %select_n3A_127, %eq3A_128 : i32
        %select_n3A_130 = arith.constant 127 : i32
        %select_n3A_131 = arith.select %eq3A_129, %select_n3A_130, %select_n3A_127 : i32
        %add3A_132 = arith.addi %select_n3A_131, %mul3A_6 : i32
        %add3A_133 = arith.constant 1 : i32
        %add3A_134 = arith.addi %scan3A_118, %add3A_133 : i32
        %select_n3A_135 = arith.constant true
        %select_n3A_136 = arith.select %select_n3A_135, %add3A_134, %scan3A_118 : i32
        %eq3A_137 = arith.constant 128 : i32
        %eq3A_138 = arith.cmpi eq, %select_n3A_136, %eq3A_137 : i32
        %select_n3A_139 = arith.constant 0 : i32
        %select_n3A_140 = arith.select %eq3A_138, %select_n3A_139, %select_n3A_136 : i32
        %add3A_141 = arith.addi %select_n3A_140, %mul3A_6 : i32
        %add3A_142 = arith.constant 1 : i32
        %add3A_143 = arith.addi %select_n3A_140, %add3A_142 : i32
        %select_n3A_144 = arith.constant true
        %select_n3A_145 = arith.select %select_n3A_144, %add3A_143, %select_n3A_140 : i32
        %eq3A_146 = arith.constant 128 : i32
        %eq3A_147 = arith.cmpi eq, %select_n3A_145, %eq3A_146 : i32
        %select_n3A_148 = arith.constant 0 : i32
        %select_n3A_149 = arith.select %eq3A_147, %select_n3A_148, %select_n3A_145 : i32
        %add3A_150 = arith.addi %select_n3A_149, %mul3A_6 : i32
        %ne3A = arith.cmpi ne, %add3A_123, %add3A_141 : i32
        %or3A = arith.constant false
        %or3A_151 = arith.ori %or3A, %ne3A : i1
        %ge3A = arith.constant 127 : i32
        %ge3A_152 = arith.cmpi sge, %scan3A_113, %ge3A : i32
        %not3A = arith.constant true
        %not3A_153 = arith.xori %ge3A_152, %not3A : i1
        %and3A = arith.andi %or3A_151, %not3A_153 : i1
        %convert_element_type3A = arith.extui %and3A : i1 to i32
        %cond3A = arith.constant 0 : i32
        %cond3A_154 = arith.cmpi ne, %convert_element_type3A, %cond3A : i32
        scf.if %cond3A_154 {
          "tpu.trace_start"() <{level = 10 : i32, message = "ep_copy_in"}> : () -> ()
          %rem3A_260 = arith.constant 2 : i32
          %rem3A_261 = arith.remui %scan3A_114, %rem3A_260 : i32
          %mul3A_262 = arith.constant 16384 : i32
          %mul3A_263 = arith.muli %mul3A_262, %add3A_141 : i32
          %mul3A_264 = arith.constant 16384 : i32
          %mul3A_265 = arith.muli %rem3A_261, %mul3A_264 : i32
          %add3A_266 = arith.constant 0 : i32
          %add3A_267 = arith.addi %mul3A_265, %add3A_266 : i32
          %dma_start3A_268 = tpu.memref_slice %run_scoped3A[%add3A_267] : memref<32768xf32, #tpu.memory_space<vmem>> -> memref<16384xf32, #tpu.memory_space<vmem>>
          %dma_start3A_269 = tpu.memref_slice %arg2[%mul3A_263] : memref<67108864xf32, #tpu.memory_space<hbm>> -> memref<16384xf32, #tpu.memory_space<hbm>>
          %dma_start3A_270 = tpu.memref_slice %run_scoped3A_7[%rem3A_261] : memref<2x!tpu.dma_semaphore, #tpu.memory_space<semaphore_mem>> -> memref<1x!tpu.dma_semaphore, #tpu.memory_space<semaphore_mem>>
          %dma_start3A_271 = tpu.memref_squeeze %dma_start3A_270 : memref<1x!tpu.dma_semaphore, #tpu.memory_space<semaphore_mem>> -> memref<!tpu.dma_semaphore, #tpu.memory_space<semaphore_mem>>
          %dma_start3A_272 = tpu.memref_slice %run_scoped3A[%add3A_267] : memref<32768xf32, #tpu.memory_space<vmem>> -> memref<16384xf32, #tpu.memory_space<vmem>>
          %dma_start3A_273 = tpu.memref_slice %arg2[%mul3A_263] : memref<67108864xf32, #tpu.memory_space<hbm>> -> memref<16384xf32, #tpu.memory_space<hbm>>
          tpu.enqueue_dma source(%dma_start3A_273 : memref<16384xf32, #tpu.memory_space<hbm>>) target(%dma_start3A_272 : memref<16384xf32, #tpu.memory_space<vmem>>) target_semaphore(%dma_start3A_271 : memref<!tpu.dma_semaphore, #tpu.memory_space<semaphore_mem>>)
          "tpu.trace_stop"() : () -> ()
        } else {
        }
        %and3A_155 = arith.constant true
        %and3A_156 = arith.andi %and3A, %and3A_155 : i1
        %add3A_157 = arith.constant 1 : i32
        %add3A_158 = arith.addi %scan3A_114, %add3A_157 : i32
        %select_n3A_159 = arith.select %and3A_156, %add3A_158, %scan3A_114 : i32
        %ne3A_160 = arith.cmpi ne, %add3A_123, %add3A_141 : i32
        %or3A_161 = arith.constant false
        %or3A_162 = arith.ori %or3A_161, %ne3A_160 : i1
        %ge3A_163 = arith.constant 127 : i32
        %ge3A_164 = arith.cmpi sge, %scan3A_113, %ge3A_163 : i32
        %not3A_165 = arith.constant true
        %not3A_166 = arith.xori %ge3A_164, %not3A_165 : i1
        %and3A_167 = arith.andi %or3A_162, %not3A_166 : i1
        %ne3A_168 = arith.cmpi ne, %add3A_123, %add3A_132 : i32
        %or3A_169 = arith.constant false
        %or3A_170 = arith.ori %or3A_169, %ne3A_168 : i1
        %or3A_171 = arith.ori %or3A_170, %eq3A_120 : i1
        %convert_element_type3A_172 = arith.extui %or3A_171 : i1 to i32
        %cond3A_173 = arith.constant 0 : i32
        %cond3A_174 = arith.cmpi ne, %convert_element_type3A_172, %cond3A_173 : i32
        scf.if %cond3A_174 {
          "tpu.trace_start"() <{level = 10 : i32, message = "ep_wait_in"}> : () -> ()
          %mul3A_260 = arith.constant 16384 : i32
          %mul3A_261 = arith.muli %mul3A_260, %add3A_123 : i32
          %rem3A_262 = arith.constant 2 : i32
          %rem3A_263 = arith.remui %scan3A_115, %rem3A_262 : i32
          %mul3A_264 = arith.constant 16384 : i32
          %mul3A_265 = arith.muli %rem3A_263, %mul3A_264 : i32
          %add3A_266 = arith.constant 0 : i32
          %add3A_267 = arith.addi %mul3A_265, %add3A_266 : i32
          %dma_wait3A_268 = tpu.memref_slice %run_scoped3A[%add3A_267] : memref<32768xf32, #tpu.memory_space<vmem>> -> memref<16384xf32, #tpu.memory_space<vmem>>
          %dma_wait3A_269 = tpu.memref_slice %arg2[%mul3A_261] : memref<67108864xf32, #tpu.memory_space<hbm>> -> memref<16384xf32, #tpu.memory_space<hbm>>
          %dma_wait3A_270 = tpu.memref_slice %run_scoped3A_7[%rem3A_263] : memref<2x!tpu.dma_semaphore, #tpu.memory_space<semaphore_mem>> -> memref<1x!tpu.dma_semaphore, #tpu.memory_space<semaphore_mem>>
          %dma_wait3A_271 = tpu.memref_squeeze %dma_wait3A_270 : memref<1x!tpu.dma_semaphore, #tpu.memory_space<semaphore_mem>> -> memref<!tpu.dma_semaphore, #tpu.memory_space<semaphore_mem>>
          %dma_wait3A_272 = tpu.memref_slice %run_scoped3A[%add3A_267] : memref<32768xf32, #tpu.memory_space<vmem>> -> memref<16384xf32, #tpu.memory_space<vmem>>
          %dma_wait3A_273 = tpu.memref_slice %arg2[%mul3A_261] : memref<67108864xf32, #tpu.memory_space<hbm>> -> memref<16384xf32, #tpu.memory_space<hbm>>
          tpu.wait_dma2 semaphore(%dma_wait3A_271 : memref<!tpu.dma_semaphore, #tpu.memory_space<semaphore_mem>>) src(%dma_wait3A_273 : memref<16384xf32, #tpu.memory_space<hbm>>) dst(%dma_wait3A_272 : memref<16384xf32, #tpu.memory_space<vmem>>)
          "tpu.trace_stop"() : () -> ()
        } else {
        }
        %ne3A_175 = arith.cmpi ne, %add3A_123, %add3A_132 : i32
        %or3A_176 = arith.constant false
        %or3A_177 = arith.ori %or3A_176, %ne3A_175 : i1
        %or3A_178 = arith.ori %or3A_177, %eq3A_120 : i1
        %convert_element_type3A_179 = arith.extui %or3A_178 : i1 to i32
        %cond3A_180 = arith.constant 0 : i32
        %cond3A_181 = arith.cmpi ne, %convert_element_type3A_179, %cond3A_180 : i32
        scf.if %cond3A_181 {
        } else {
        }
        %rem3A_182 = arith.constant 2 : i32
        %rem3A_183 = arith.remui %scan3A_115, %rem3A_182 : i32
        %mul3A_184 = arith.constant 16384 : i32
        %mul3A_185 = arith.muli %rem3A_183, %mul3A_184 : i32
        %rem3A_186 = arith.constant 2 : i32
        %rem3A_187 = arith.remui %scan3A_116, %rem3A_186 : i32
        %mul3A_188 = arith.constant 16384 : i32
        %mul3A_189 = arith.muli %rem3A_187, %mul3A_188 : i32
        "tpu.trace_start"() <{level = 10 : i32, message = "ep_run_kernel"}> : () -> ()
        %get3A = arith.constant 0 : index
        %get3A_190 = tpu.vector_load %arg5[%get3A] {strides = array<i32>} : memref<16xf32, #tpu.memory_space<vmem>>, vector<16xf32>,
        %get3A_191 = vector.shape_cast %get3A_190 : vector<16xf32> to vector<16xf32>
        %div3A = arith.constant 1.000000e+00 : f32
        %div3A_192 = vector.broadcast %div3A : f32 to vector<16xf32>
        %div3A_193 = arith.divf %div3A_192, %get3A_191 : vector<16xf32>
        %scan3A_194 = arith.constant 0 : i32
        %scan3A_195 = arith.constant 1024 : i32
        %scan3A_196 = arith.addi %scan3A_194, %scan3A_195 : i32
        %scan3A_197 = arith.constant 8 : i32
        scf.for %scan3A_260 = %scan3A_194 to %scan3A_196 step %scan3A_197  : i32 {
          %mul3A_261 = arith.constant 16 : i32
          %mul3A_262 = arith.muli %scan3A_260, %mul3A_261 : i32
          %add3A_263 = arith.constant 0 : i32
          %add3A_264 = arith.addi %add3A_263, %mul3A_262 : i32
          %get3A_265 = tpu.memref_slice %run_scoped3A[%mul3A_185] : memref<32768xf32, #tpu.memory_space<vmem>> -> memref<16384xf32, #tpu.memory_space<vmem>>
          %get3A_266 = arith.index_cast %add3A_264 : i32 to index
          %get3A_267 = tpu.vector_load %get3A_265[%get3A_266] {strides = array<i32>} : memref<16384xf32, #tpu.memory_space<vmem>>, vector<16xf32>,
          %get3A_268 = vector.shape_cast %get3A_267 : vector<16xf32> to vector<16xf32>
          %mul3A_269 = arith.mulf %get3A_268, %div3A_193 : vector<16xf32>
          %swap3A = tpu.memref_slice %run_scoped3A_8[%mul3A_189] : memref<32768xf32, #tpu.memory_space<vmem>> -> memref<16384xf32, #tpu.memory_space<vmem>>
          %swap3A_270 = arith.index_cast %add3A_264 : i32 to index
          %swap3A_271 = tpu.vector_load %swap3A[%swap3A_270] {strides = array<i32>} : memref<16384xf32, #tpu.memory_space<vmem>>, vector<16xf32>,
          %swap3A_272 = vector.shape_cast %swap3A_271 : vector<16xf32> to vector<16xf32>
          %swap3A_273 = vector.shape_cast %mul3A_269 : vector<16xf32> to vector<16xf32>
          tpu.vector_store %swap3A[%swap3A_270], %swap3A_273 {strides = array<i32>} : memref<16384xf32, #tpu.memory_space<vmem>>, vector<16xf32>,
          %scan3A_274 = arith.constant 1 : i32
          %scan3A_275 = arith.addi %scan3A_260, %scan3A_274 : i32
          %mul3A_276 = arith.constant 16 : i32
          %mul3A_277 = arith.muli %scan3A_275, %mul3A_276 : i32
          %add3A_278 = arith.constant 0 : i32
          %add3A_279 = arith.addi %add3A_278, %mul3A_277 : i32
          %get3A_280 = tpu.memref_slice %run_scoped3A[%mul3A_185] : memref<32768xf32, #tpu.memory_space<vmem>> -> memref<16384xf32, #tpu.memory_space<vmem>>
          %get3A_281 = arith.index_cast %add3A_279 : i32 to index
          %get3A_282 = tpu.vector_load %get3A_280[%get3A_281] {strides = array<i32>} : memref<16384xf32, #tpu.memory_space<vmem>>, vector<16xf32>,
          %get3A_283 = vector.shape_cast %get3A_282 : vector<16xf32> to vector<16xf32>
          %mul3A_284 = arith.mulf %get3A_283, %div3A_193 : vector<16xf32>
          %swap3A_285 = tpu.memref_slice %run_scoped3A_8[%mul3A_189] : memref<32768xf32, #tpu.memory_space<vmem>> -> memref<16384xf32, #tpu.memory_space<vmem>>
          %swap3A_286 = arith.index_cast %add3A_279 : i32 to index
          %swap3A_287 = tpu.vector_load %swap3A_285[%swap3A_286] {strides = array<i32>} : memref<16384xf32, #tpu.memory_space<vmem>>, vector<16xf32>,
          %swap3A_288 = vector.shape_cast %swap3A_287 : vector<16xf32> to vector<16xf32>
          %swap3A_289 = vector.shape_cast %mul3A_284 : vector<16xf32> to vector<16xf32>
          tpu.vector_store %swap3A_285[%swap3A_286], %swap3A_289 {strides = array<i32>} : memref<16384xf32, #tpu.memory_space<vmem>>, vector<16xf32>,
          %scan3A_290 = arith.constant 2 : i32
          %scan3A_291 = arith.addi %scan3A_260, %scan3A_290 : i32
          %mul3A_292 = arith.constant 16 : i32
          %mul3A_293 = arith.muli %scan3A_291, %mul3A_292 : i32
          %add3A_294 = arith.constant 0 : i32
          %add3A_295 = arith.addi %add3A_294, %mul3A_293 : i32
          %get3A_296 = tpu.memref_slice %run_scoped3A[%mul3A_185] : memref<32768xf32, #tpu.memory_space<vmem>> -> memref<16384xf32, #tpu.memory_space<vmem>>
          %get3A_297 = arith.index_cast %add3A_295 : i32 to index
          %get3A_298 = tpu.vector_load %get3A_296[%get3A_297] {strides = array<i32>} : memref<16384xf32, #tpu.memory_space<vmem>>, vector<16xf32>,
          %get3A_299 = vector.shape_cast %get3A_298 : vector<16xf32> to vector<16xf32>
          %mul3A_300 = arith.mulf %get3A_299, %div3A_193 : vector<16xf32>
          %swap3A_301 = tpu.memref_slice %run_scoped3A_8[%mul3A_189] : memref<32768xf32, #tpu.memory_space<vmem>> -> memref<16384xf32, #tpu.memory_space<vmem>>
          %swap3A_302 = arith.index_cast %add3A_295 : i32 to index
          %swap3A_303 = tpu.vector_load %swap3A_301[%swap3A_302] {strides = array<i32>} : memref<16384xf32, #tpu.memory_space<vmem>>, vector<16xf32>,
          %swap3A_304 = vector.shape_cast %swap3A_303 : vector<16xf32> to vector<16xf32>
          %swap3A_305 = vector.shape_cast %mul3A_300 : vector<16xf32> to vector<16xf32>
          tpu.vector_store %swap3A_301[%swap3A_302], %swap3A_305 {strides = array<i32>} : memref<16384xf32, #tpu.memory_space<vmem>>, vector<16xf32>,
          %scan3A_306 = arith.constant 3 : i32
          %scan3A_307 = arith.addi %scan3A_260, %scan3A_306 : i32
          %mul3A_308 = arith.constant 16 : i32
          %mul3A_309 = arith.muli %scan3A_307, %mul3A_308 : i32
          %add3A_310 = arith.constant 0 : i32
          %add3A_311 = arith.addi %add3A_310, %mul3A_309 : i32
          %get3A_312 = tpu.memref_slice %run_scoped3A[%mul3A_185] : memref<32768xf32, #tpu.memory_space<vmem>> -> memref<16384xf32, #tpu.memory_space<vmem>>
          %get3A_313 = arith.index_cast %add3A_311 : i32 to index
          %get3A_314 = tpu.vector_load %get3A_312[%get3A_313] {strides = array<i32>} : memref<16384xf32, #tpu.memory_space<vmem>>, vector<16xf32>,
          %get3A_315 = vector.shape_cast %get3A_314 : vector<16xf32> to vector<16xf32>
          %mul3A_316 = arith.mulf %get3A_315, %div3A_193 : vector<16xf32>
          %swap3A_317 = tpu.memref_slice %run_scoped3A_8[%mul3A_189] : memref<32768xf32, #tpu.memory_space<vmem>> -> memref<16384xf32, #tpu.memory_space<vmem>>
          %swap3A_318 = arith.index_cast %add3A_311 : i32 to index
          %swap3A_319 = tpu.vector_load %swap3A_317[%swap3A_318] {strides = array<i32>} : memref<16384xf32, #tpu.memory_space<vmem>>, vector<16xf32>,
          %swap3A_320 = vector.shape_cast %swap3A_319 : vector<16xf32> to vector<16xf32>
          %swap3A_321 = vector.shape_cast %mul3A_316 : vector<16xf32> to vector<16xf32>
          tpu.vector_store %swap3A_317[%swap3A_318], %swap3A_321 {strides = array<i32>} : memref<16384xf32, #tpu.memory_space<vmem>>, vector<16xf32>,
          %scan3A_322 = arith.constant 4 : i32
          %scan3A_323 = arith.addi %scan3A_260, %scan3A_322 : i32
          %mul3A_324 = arith.constant 16 : i32
          %mul3A_325 = arith.muli %scan3A_323, %mul3A_324 : i32
          %add3A_326 = arith.constant 0 : i32
          %add3A_327 = arith.addi %add3A_326, %mul3A_325 : i32
          %get3A_328 = tpu.memref_slice %run_scoped3A[%mul3A_185] : memref<32768xf32, #tpu.memory_space<vmem>> -> memref<16384xf32, #tpu.memory_space<vmem>>
          %get3A_329 = arith.index_cast %add3A_327 : i32 to index
          %get3A_330 = tpu.vector_load %get3A_328[%get3A_329] {strides = array<i32>} : memref<16384xf32, #tpu.memory_space<vmem>>, vector<16xf32>,
          %get3A_331 = vector.shape_cast %get3A_330 : vector<16xf32> to vector<16xf32>
          %mul3A_332 = arith.mulf %get3A_331, %div3A_193 : vector<16xf32>
          %swap3A_333 = tpu.memref_slice %run_scoped3A_8[%mul3A_189] : memref<32768xf32, #tpu.memory_space<vmem>> -> memref<16384xf32, #tpu.memory_space<vmem>>
          %swap3A_334 = arith.index_cast %add3A_327 : i32 to index
          %swap3A_335 = tpu.vector_load %swap3A_333[%swap3A_334] {strides = array<i32>} : memref<16384xf32, #tpu.memory_space<vmem>>, vector<16xf32>,
          %swap3A_336 = vector.shape_cast %swap3A_335 : vector<16xf32> to vector<16xf32>
          %swap3A_337 = vector.shape_cast %mul3A_332 : vector<16xf32> to vector<16xf32>
          tpu.vector_store %swap3A_333[%swap3A_334], %swap3A_337 {strides = array<i32>} : memref<16384xf32, #tpu.memory_space<vmem>>, vector<16xf32>,
          %scan3A_338 = arith.constant 5 : i32
          %scan3A_339 = arith.addi %scan3A_260, %scan3A_338 : i32
          %mul3A_340 = arith.constant 16 : i32
          %mul3A_341 = arith.muli %scan3A_339, %mul3A_340 : i32
          %add3A_342 = arith.constant 0 : i32
          %add3A_343 = arith.addi %add3A_342, %mul3A_341 : i32
          %get3A_344 = tpu.memref_slice %run_scoped3A[%mul3A_185] : memref<32768xf32, #tpu.memory_space<vmem>> -> memref<16384xf32, #tpu.memory_space<vmem>>
          %get3A_345 = arith.index_cast %add3A_343 : i32 to index
          %get3A_346 = tpu.vector_load %get3A_344[%get3A_345] {strides = array<i32>} : memref<16384xf32, #tpu.memory_space<vmem>>, vector<16xf32>,
          %get3A_347 = vector.shape_cast %get3A_346 : vector<16xf32> to vector<16xf32>
          %mul3A_348 = arith.mulf %get3A_347, %div3A_193 : vector<16xf32>
          %swap3A_349 = tpu.memref_slice %run_scoped3A_8[%mul3A_189] : memref<32768xf32, #tpu.memory_space<vmem>> -> memref<16384xf32, #tpu.memory_space<vmem>>
          %swap3A_350 = arith.index_cast %add3A_343 : i32 to index
          %swap3A_351 = tpu.vector_load %swap3A_349[%swap3A_350] {strides = array<i32>} : memref<16384xf32, #tpu.memory_space<vmem>>, vector<16xf32>,
          %swap3A_352 = vector.shape_cast %swap3A_351 : vector<16xf32> to vector<16xf32>
          %swap3A_353 = vector.shape_cast %mul3A_348 : vector<16xf32> to vector<16xf32>
          tpu.vector_store %swap3A_349[%swap3A_350], %swap3A_353 {strides = array<i32>} : memref<16384xf32, #tpu.memory_space<vmem>>, vector<16xf32>,
          %scan3A_354 = arith.constant 6 : i32
          %scan3A_355 = arith.addi %scan3A_260, %scan3A_354 : i32
          %mul3A_356 = arith.constant 16 : i32
          %mul3A_357 = arith.muli %scan3A_355, %mul3A_356 : i32
          %add3A_358 = arith.constant 0 : i32
          %add3A_359 = arith.addi %add3A_358, %mul3A_357 : i32
          %get3A_360 = tpu.memref_slice %run_scoped3A[%mul3A_185] : memref<32768xf32, #tpu.memory_space<vmem>> -> memref<16384xf32, #tpu.memory_space<vmem>>
          %get3A_361 = arith.index_cast %add3A_359 : i32 to index
          %get3A_362 = tpu.vector_load %get3A_360[%get3A_361] {strides = array<i32>} : memref<16384xf32, #tpu.memory_space<vmem>>, vector<16xf32>,
          %get3A_363 = vector.shape_cast %get3A_362 : vector<16xf32> to vector<16xf32>
          %mul3A_364 = arith.mulf %get3A_363, %div3A_193 : vector<16xf32>
          %swap3A_365 = tpu.memref_slice %run_scoped3A_8[%mul3A_189] : memref<32768xf32, #tpu.memory_space<vmem>> -> memref<16384xf32, #tpu.memory_space<vmem>>
          %swap3A_366 = arith.index_cast %add3A_359 : i32 to index
          %swap3A_367 = tpu.vector_load %swap3A_365[%swap3A_366] {strides = array<i32>} : memref<16384xf32, #tpu.memory_space<vmem>>, vector<16xf32>,
          %swap3A_368 = vector.shape_cast %swap3A_367 : vector<16xf32> to vector<16xf32>
          %swap3A_369 = vector.shape_cast %mul3A_364 : vector<16xf32> to vector<16xf32>
          tpu.vector_store %swap3A_365[%swap3A_366], %swap3A_369 {strides = array<i32>} : memref<16384xf32, #tpu.memory_space<vmem>>, vector<16xf32>,
          %scan3A_370 = arith.constant 7 : i32
          %scan3A_371 = arith.addi %scan3A_260, %scan3A_370 : i32
          %mul3A_372 = arith.constant 16 : i32
          %mul3A_373 = arith.muli %scan3A_371, %mul3A_372 : i32
          %add3A_374 = arith.constant 0 : i32
          %add3A_375 = arith.addi %add3A_374, %mul3A_373 : i32
          %get3A_376 = tpu.memref_slice %run_scoped3A[%mul3A_185] : memref<32768xf32, #tpu.memory_space<vmem>> -> memref<16384xf32, #tpu.memory_space<vmem>>
          %get3A_377 = arith.index_cast %add3A_375 : i32 to index
          %get3A_378 = tpu.vector_load %get3A_376[%get3A_377] {strides = array<i32>} : memref<16384xf32, #tpu.memory_space<vmem>>, vector<16xf32>,
          %get3A_379 = vector.shape_cast %get3A_378 : vector<16xf32> to vector<16xf32>
          %mul3A_380 = arith.mulf %get3A_379, %div3A_193 : vector<16xf32>
          %swap3A_381 = tpu.memref_slice %run_scoped3A_8[%mul3A_189] : memref<32768xf32, #tpu.memory_space<vmem>> -> memref<16384xf32, #tpu.memory_space<vmem>>
          %swap3A_382 = arith.index_cast %add3A_375 : i32 to index
          %swap3A_383 = tpu.vector_load %swap3A_381[%swap3A_382] {strides = array<i32>} : memref<16384xf32, #tpu.memory_space<vmem>>, vector<16xf32>,
          %swap3A_384 = vector.shape_cast %swap3A_383 : vector<16xf32> to vector<16xf32>
          %swap3A_385 = vector.shape_cast %mul3A_380 : vector<16xf32> to vector<16xf32>
          tpu.vector_store %swap3A_381[%swap3A_382], %swap3A_385 {strides = array<i32>} : memref<16384xf32, #tpu.memory_space<vmem>>, vector<16xf32>,
        }
        %scan3A_198 = arith.constant 1024 : i32
        "tpu.trace_stop"() : () -> ()
        %ne3A_199 = arith.cmpi ne, %add3A_123, %add3A_141 : i32
        %or3A_200 = arith.constant false
        %or3A_201 = arith.ori %or3A_200, %ne3A_199 : i1
        %or3A_202 = arith.ori %or3A_201, %eq3A_122 : i1
        %convert_element_type3A_203 = arith.extui %or3A_202 : i1 to i32
        %cond3A_204 = arith.constant 0 : i32
        %cond3A_205 = arith.cmpi ne, %convert_element_type3A_203, %cond3A_204 : i32
        scf.if %cond3A_205 {
        } else {
        }
        %and3A_206 = arith.constant false
        %and3A_207 = arith.andi %or3A_202, %and3A_206 : i1
        %ne3A_208 = arith.cmpi ne, %add3A_123, %add3A_141 : i32
        %or3A_209 = arith.constant false
        %or3A_210 = arith.ori %or3A_209, %ne3A_208 : i1
        %or3A_211 = arith.ori %or3A_210, %eq3A_122 : i1
        %convert_element_type3A_212 = arith.extui %or3A_211 : i1 to i32
        %cond3A_213 = arith.constant 0 : i32
        %cond3A_214 = arith.cmpi ne, %convert_element_type3A_212, %cond3A_213 : i32
        scf.if %cond3A_214 {
          "tpu.trace_start"() <{level = 10 : i32, message = "ep_copy_out"}> : () -> ()
          %rem3A_260 = arith.constant 2 : i32
          %rem3A_261 = arith.remui %scan3A_116, %rem3A_260 : i32
          %mul3A_262 = arith.constant 16384 : i32
          %mul3A_263 = arith.muli %mul3A_262, %add3A_123 : i32
          %mul3A_264 = arith.constant 16384 : i32
          %mul3A_265 = arith.muli %rem3A_261, %mul3A_264 : i32
          %add3A_266 = arith.constant 0 : i32
          %add3A_267 = arith.addi %mul3A_265, %add3A_266 : i32
          %dma_start3A_268 = tpu.memref_slice %run_scoped3A_8[%add3A_267] : memref<32768xf32, #tpu.memory_space<vmem>> -> memref<16384xf32, #tpu.memory_space<vmem>>
          %dma_start3A_269 = tpu.memref_slice %arg4[%mul3A_263] : memref<67108864xf32, #tpu.memory_space<hbm>> -> memref<16384xf32, #tpu.memory_space<hbm>>
          %dma_start3A_270 = tpu.memref_slice %run_scoped3A_9[%rem3A_261] : memref<2x!tpu.dma_semaphore, #tpu.memory_space<semaphore_mem>> -> memref<1x!tpu.dma_semaphore, #tpu.memory_space<semaphore_mem>>
          %dma_start3A_271 = tpu.memref_squeeze %dma_start3A_270 : memref<1x!tpu.dma_semaphore, #tpu.memory_space<semaphore_mem>> -> memref<!tpu.dma_semaphore, #tpu.memory_space<semaphore_mem>>
          %dma_start3A_272 = tpu.memref_slice %arg4[%mul3A_263] : memref<67108864xf32, #tpu.memory_space<hbm>> -> memref<16384xf32, #tpu.memory_space<hbm>>
          %dma_start3A_273 = tpu.memref_slice %run_scoped3A_8[%add3A_267] : memref<32768xf32, #tpu.memory_space<vmem>> -> memref<16384xf32, #tpu.memory_space<vmem>>
          tpu.enqueue_dma source(%dma_start3A_273 : memref<16384xf32, #tpu.memory_space<vmem>>) target(%dma_start3A_272 : memref<16384xf32, #tpu.memory_space<hbm>>) target_semaphore(%dma_start3A_271 : memref<!tpu.dma_semaphore, #tpu.memory_space<semaphore_mem>>)
          "tpu.trace_stop"() : () -> ()
        } else {
        }
        %and3A_215 = arith.constant true
        %and3A_216 = arith.andi %or3A_211, %and3A_215 : i1
        %add3A_217 = arith.constant 1 : i32
        %add3A_218 = arith.addi %scan3A_116, %add3A_217 : i32
        %select_n3A_219 = arith.select %and3A_216, %add3A_218, %scan3A_116 : i32
        %ne3A_220 = arith.cmpi ne, %add3A_123, %add3A_132 : i32
        %or3A_221 = arith.constant false
        %or3A_222 = arith.ori %or3A_221, %ne3A_220 : i1
        %not3A_223 = arith.constant true
        %not3A_224 = arith.xori %eq3A_120, %not3A_223 : i1
        %and3A_225 = arith.andi %or3A_222, %not3A_224 : i1
        %convert_element_type3A_226 = arith.extui %and3A_225 : i1 to i32
        %cond3A_227 = arith.constant 0 : i32
        %cond3A_228 = arith.cmpi ne, %convert_element_type3A_226, %cond3A_227 : i32
        scf.if %cond3A_228 {
        } else {
        }
        %and3A_229 = arith.constant false
        %and3A_230 = arith.andi %and3A_225, %and3A_229 : i1
        %ne3A_231 = arith.cmpi ne, %add3A_123, %add3A_132 : i32
        %or3A_232 = arith.constant false
        %or3A_233 = arith.ori %or3A_232, %ne3A_231 : i1
        %not3A_234 = arith.constant true
        %not3A_235 = arith.xori %eq3A_120, %not3A_234 : i1
        %and3A_236 = arith.andi %or3A_233, %not3A_235 : i1
        %convert_element_type3A_237 = arith.extui %and3A_236 : i1 to i32
        %cond3A_238 = arith.constant 0 : i32
        %cond3A_239 = arith.cmpi ne, %convert_element_type3A_237, %cond3A_238 : i32
        scf.if %cond3A_239 {
          "tpu.trace_start"() <{level = 10 : i32, message = "ep_wait_out"}> : () -> ()
          %rem3A_260 = arith.constant 2 : i32
          %rem3A_261 = arith.remui %scan3A_117, %rem3A_260 : i32
          %mul3A_262 = arith.constant 16384 : i32
          %mul3A_263 = arith.muli %mul3A_262, %add3A_132 : i32
          %mul3A_264 = arith.constant 16384 : i32
          %mul3A_265 = arith.muli %rem3A_261, %mul3A_264 : i32
          %add3A_266 = arith.constant 0 : i32
          %add3A_267 = arith.addi %mul3A_265, %add3A_266 : i32
          %dma_wait3A_268 = tpu.memref_slice %run_scoped3A_8[%add3A_267] : memref<32768xf32, #tpu.memory_space<vmem>> -> memref<16384xf32, #tpu.memory_space<vmem>>
          %dma_wait3A_269 = tpu.memref_slice %arg4[%mul3A_263] : memref<67108864xf32, #tpu.memory_space<hbm>> -> memref<16384xf32, #tpu.memory_space<hbm>>
          %dma_wait3A_270 = tpu.memref_slice %run_scoped3A_9[%rem3A_261] : memref<2x!tpu.dma_semaphore, #tpu.memory_space<semaphore_mem>> -> memref<1x!tpu.dma_semaphore, #tpu.memory_space<semaphore_mem>>
          %dma_wait3A_271 = tpu.memref_squeeze %dma_wait3A_270 : memref<1x!tpu.dma_semaphore, #tpu.memory_space<semaphore_mem>> -> memref<!tpu.dma_semaphore, #tpu.memory_space<semaphore_mem>>
          %dma_wait3A_272 = tpu.memref_slice %arg4[%mul3A_263] : memref<67108864xf32, #tpu.memory_space<hbm>> -> memref<16384xf32, #tpu.memory_space<hbm>>
          %dma_wait3A_273 = tpu.memref_slice %run_scoped3A_8[%add3A_267] : memref<32768xf32, #tpu.memory_space<vmem>> -> memref<16384xf32, #tpu.memory_space<vmem>>
          tpu.wait_dma2 semaphore(%dma_wait3A_271 : memref<!tpu.dma_semaphore, #tpu.memory_space<semaphore_mem>>) src(%dma_wait3A_273 : memref<16384xf32, #tpu.memory_space<vmem>>) dst(%dma_wait3A_272 : memref<16384xf32, #tpu.memory_space<hbm>>)
          "tpu.trace_stop"() : () -> ()
        } else {
        }
        %and3A_240 = arith.constant true
        %and3A_241 = arith.andi %and3A_236, %and3A_240 : i1
        %add3A_242 = arith.constant 1 : i32
        %add3A_243 = arith.addi %scan3A_117, %add3A_242 : i32
        %select_n3A_244 = arith.select %and3A_241, %add3A_243, %scan3A_117 : i32
        %ne3A_245 = arith.cmpi ne, %add3A_123, %add3A_141 : i32
        %or3A_246 = arith.constant false
        %or3A_247 = arith.ori %or3A_246, %ne3A_245 : i1
        %or3A_248 = arith.ori %or3A_247, %eq3A_122 : i1
        %add3A_249 = arith.constant 1 : i32
        %add3A_250 = arith.addi %scan3A_115, %add3A_249 : i32
        %select_n3A_251 = arith.select %or3A_248, %add3A_250, %scan3A_115 : i32
        %add3A_252 = arith.constant 1 : i32
        %add3A_253 = arith.addi %scan3A_118, %add3A_252 : i32
        %select_n3A_254 = arith.constant true
        %select_n3A_255 = arith.select %select_n3A_254, %add3A_253, %scan3A_118 : i32
        %eq3A_256 = arith.constant 128 : i32
        %eq3A_257 = arith.cmpi eq, %select_n3A_255, %eq3A_256 : i32
        %select_n3A_258 = arith.constant 0 : i32
        %select_n3A_259 = arith.select %eq3A_257, %select_n3A_258, %select_n3A_255 : i32
        scf.yield %select_n3A_159, %select_n3A_251, %select_n3A_219, %select_n3A_244, %select_n3A_259 : i32, i32, i32, i32, i32
      }
      %scan3A_64 = arith.constant 128 : i32
      %sub3A = arith.constant 1 : i32
      %sub3A_65 = arith.subi %scan3A_63#4, %sub3A : i32
      %select_n3A_66 = arith.constant true
      %select_n3A_67 = arith.select %select_n3A_66, %sub3A_65, %scan3A_63#4 : i32
      %eq3A_68 = arith.constant -1 : i32
      %eq3A_69 = arith.cmpi eq, %select_n3A_67, %eq3A_68 : i32
      %select_n3A_70 = arith.constant 127 : i32
      %select_n3A_71 = arith.select %eq3A_69, %select_n3A_70, %select_n3A_67 : i32
      %add3A_72 = arith.addi %select_n3A_71, %mul3A_6 : i32
      %sub3A_73 = arith.constant 1 : i32
      %sub3A_74 = arith.subi %select_n3A_71, %sub3A_73 : i32
      %select_n3A_75 = arith.constant true
      %select_n3A_76 = arith.select %select_n3A_75, %sub3A_74, %select_n3A_71 : i32
      %eq3A_77 = arith.constant -1 : i32
      %eq3A_78 = arith.cmpi eq, %select_n3A_76, %eq3A_77 : i32
      %select_n3A_79 = arith.constant 127 : i32
      %select_n3A_80 = arith.select %eq3A_78, %select_n3A_79, %select_n3A_76 : i32
      %add3A_81 = arith.addi %select_n3A_80, %mul3A_6 : i32
      %add3A_82 = arith.constant 1 : i32
      %add3A_83 = arith.addi %select_n3A_71, %add3A_82 : i32
      %select_n3A_84 = arith.constant true
      %select_n3A_85 = arith.select %select_n3A_84, %add3A_83, %select_n3A_71 : i32
      %eq3A_86 = arith.constant 128 : i32
      %eq3A_87 = arith.cmpi eq, %select_n3A_85, %eq3A_86 : i32
      %select_n3A_88 = arith.constant 0 : i32
      %select_n3A_89 = arith.select %eq3A_87, %select_n3A_88, %select_n3A_85 : i32
      %add3A_90 = arith.addi %select_n3A_89, %mul3A_6 : i32
      %add3A_91 = arith.constant 1 : i32
      %add3A_92 = arith.addi %select_n3A_89, %add3A_91 : i32
      %select_n3A_93 = arith.constant true
      %select_n3A_94 = arith.select %select_n3A_93, %add3A_92, %select_n3A_89 : i32
      %eq3A_95 = arith.constant 128 : i32
      %eq3A_96 = arith.cmpi eq, %select_n3A_94, %eq3A_95 : i32
      %select_n3A_97 = arith.constant 0 : i32
      %select_n3A_98 = arith.select %eq3A_96, %select_n3A_97, %select_n3A_94 : i32
      %add3A_99 = arith.addi %select_n3A_98, %mul3A_6 : i32
      "tpu.trace_start"() <{level = 10 : i32, message = "ep_finalize"}> : () -> ()
      %rem3A_100 = arith.constant 2 : i32
      %rem3A_101 = arith.remui %scan3A_63#3, %rem3A_100 : i32
      %mul3A_102 = arith.constant 16384 : i32
      %mul3A_103 = arith.muli %mul3A_102, %add3A_72 : i32
      %mul3A_104 = arith.constant 16384 : i32
      %mul3A_105 = arith.muli %rem3A_101, %mul3A_104 : i32
      %add3A_106 = arith.constant 0 : i32
      %add3A_107 = arith.addi %mul3A_105, %add3A_106 : i32
      %dma_wait3A = tpu.memref_slice %run_scoped3A_8[%add3A_107] : memref<32768xf32, #tpu.memory_space<vmem>> -> memref<16384xf32, #tpu.memory_space<vmem>>
      %dma_wait3A_108 = tpu.memref_slice %arg4[%mul3A_103] : memref<67108864xf32, #tpu.memory_space<hbm>> -> memref<16384xf32, #tpu.memory_space<hbm>>
      %dma_wait3A_109 = tpu.memref_slice %run_scoped3A_9[%rem3A_101] : memref<2x!tpu.dma_semaphore, #tpu.memory_space<semaphore_mem>> -> memref<1x!tpu.dma_semaphore, #tpu.memory_space<semaphore_mem>>
      %dma_wait3A_110 = tpu.memref_squeeze %dma_wait3A_109 : memref<1x!tpu.dma_semaphore, #tpu.memory_space<semaphore_mem>> -> memref<!tpu.dma_semaphore, #tpu.memory_space<semaphore_mem>>
      %dma_wait3A_111 = tpu.memref_slice %arg4[%mul3A_103] : memref<67108864xf32, #tpu.memory_space<hbm>> -> memref<16384xf32, #tpu.memory_space<hbm>>
      %dma_wait3A_112 = tpu.memref_slice %run_scoped3A_8[%add3A_107] : memref<32768xf32, #tpu.memory_space<vmem>> -> memref<16384xf32, #tpu.memory_space<vmem>>
      tpu.wait_dma2 semaphore(%dma_wait3A_110 : memref<!tpu.dma_semaphore, #tpu.memory_space<semaphore_mem>>) src(%dma_wait3A_112 : memref<16384xf32, #tpu.memory_space<vmem>>) dst(%dma_wait3A_111 : memref<16384xf32, #tpu.memory_space<hbm>>)
      "tpu.trace_stop"() : () -> ()
      tpu.yield
    }) : () -> ()
    return
  }
}

</mosaic_0001>

<sc_bundles>
// kernel: kernel.3.cloned.1.call-start
scs
__scs_entry_jumppad:
0x0: {  	(pc) =	sbr.rel $0x88, $3  }
0x1: {  	(tag) =	ssettag $0x0;
	lr =	simm.s32 $0x1  }
0x2: {  	[smem:$0x3F9F] =	sst lr;
	_ =	strace $0xD0000000  }
0x3: {  	_ = 	snop  }
0x4: {  	_ = 	snop  }
0x5: {  	_ = 	snop  }
0x6: {  	_ = 	snop  }
0x7: {  	_ = 	snop  }
__scs_overlays_trampoline_lowered:
0x8: {  	[smem:$0x3FAE] =	sst s0  }
0x9: {  	[smem:$0x3FAF] =	sst s1  }
0xa: {  	[smem:$0x3FB0] =	sst s2  }
0xb: {  	[smem:$0x3FB1] =	sst s3  }
0xc: {  	[smem:$0x3FB2] =	sst s4  }
0xd: {  	[smem:$0x3FB3] =	sst s5  }
0xe: {  	[smem:$0x3FB4] =	sst s6  }
0xf: {  	[smem:$0x3FB5] =	sst s7  }
0x10: {  	[smem:$0x3FB6] =	sst s8  }
0x11: {  	[smem:$0x3FB7] =	sst s9;
	s0 =	simm.s32 @!p0 $0x0  }
0x12: {  	s1 =	sld [smem:$0x3F9D];
	s0 =	simm.s32 @p0 $0x1  }
0x13: {  	[smem:$0x3FB8] =	sst s0;
	s0 =	simm.s32 @!p1 $0x0  }
0x14: {  	s2 =	sld [smem:$0x3F9C];
	s0 =	simm.s32 @p1 $0x1  }
0x15: {  	[smem:$0x3FB9] =	sst s0;
	s0 =	simm.s32 @!p2 $0x0  }
0x16: {  	s3 =	sld [smem:$0x3FDB];
	s0 =	simm.s32 @p2 $0x1  }
0x17: {  	s4 =	simm.s32 $0x1BF5;
	[smem:$0x3FBB] =	sst s0  }
0x18: {  	s0 =	sld [smem:$0x3F9E];
	_ =	swait.ge [sflag:s4], $0x0  }
0x19: {  	s7 =	sld [smem:$0x3F9F]  }
0x1a: {  	s8 =	sadd.s32 $0xFFFFE003, lr  }
0x1b: {  	s9 =	sadd.s32 $0xFFFFFEF7, lr;
	s5 =	simm.s32 $0xFFFFFFFF;
	p2 =	slt.u32 s8, $0xFFFFF086  }
0x1c: {  	p1 =	slt.u32 s9, $0xF7A;
	s5 =	simm.s32 @!p2 $0x0  }
0x1d: {  	s5 =	simm.s32 @p1 $0x1;
	p0 =	seq.s32 s7, s2  }
0x1e: {  	s7 =	smul.u32 @!p0 $0xF7A, s2;
	p2 =	seq.s32 @!p0 s5, $0x0  }
0x1f: {  	s9 =	smul.u32 $0xF7A, s1;
	s8 =	simm.s32 @!p0 $0x1BF5;
	p2 =	por !p2, p0  }
0x20: {  	[sflag:s8] =	ssyncset.s32 @!p0 $0xFFFFF086;
	s6 =	sadd.s32 @!p0 s3, s7;
	s7 =	simm.s32 @!p0 $0x108  }
0x21: {  	s3 =	sadd.s32 s3, s9;
	s6 =	sadd.s32 @!p0 $0x88, s6;
	s7 =	simm.s32 @p2 $0x1082  }
0x22: {  	[simem:s7], [sflag:s8] =	dma.local @!p0 [hbm:s6], $0xF7A  }
0x23: {  	s9 =	sor.u32 $0xD0000000, s2;
	s6 =	simm.s32 $0x108;
	_ =	swait.ge @!p0 [sflag:s8], $0x0  }
0x24: {  	s3 =	sadd.s32 $0x88, s3;
	s6 =	simm.s32 @!p1 $0x1082;
	[sflag:s4] =	ssyncset.s32 $0xFFFFF086  }
0x25: {  	[simem:s6], [sflag:s4] =	dma.local [hbm:s3], $0xF7A  }
0x26: {  	[smem:$0x3F9F] =	sst s1;
	(tag) =	ssettag s2;
	_ =	strace s9  }
0x27: {  	s1 =	sld [smem:$0x3FAF]  }
0x28: {  	s2 =	sld [smem:$0x3FB0]  }
0x29: {  	s4 =	sld [smem:$0x3FB2]  }
0x2a: {  	p0 =	seq.s32 s5, $0x0;
	s5 =	sld [smem:$0x3FB3]  }
0x2b: {  	s6 =	sld [smem:$0x3FB4]  }
0x2c: {  	s7 =	sld [smem:$0x3FB5]  }
0x2d: {  	s3 =	simm.s32 $0x108;
	s8 =	sld [smem:$0x3FB6]  }
0x2e: {  	s3 =	simm.s32 @!p0 $0x1082;
	s9 =	sld [smem:$0x3FB7]  }
0x2f: {  	lr =	sadd.s32 s0, s3;
	s0 =	sld [smem:$0x3FAE]  }
0x30: {  	s3 =	sld [smem:$0x3FB1]  }
0x31: {  	[smem:$0x3FBA] =	sst s10  }
0x32: {  	s10 =	sld [smem:$0x3FB8];
	_ =	sdelay $0x3  }
0x33: {  	p0 =	seq.s32 s10, $0x1;
	s10 =	sld [smem:$0x3FBA];
	_ =	sdelay $0x3  }
0x34: {  	[smem:$0x3FBA] =	sst s10  }
0x35: {  	s10 =	sld [smem:$0x3FB9];
	_ =	sdelay $0x3  }
0x36: {  	p1 =	seq.s32 s10, $0x1;
	s10 =	sld [smem:$0x3FBA];
	_ =	sdelay $0x3  }
0x37: {  	[smem:$0x3FBA] =	sst s10  }
0x38: {  	s10 =	sld [smem:$0x3FBB]  }
0x39: {  	_ = 	snop;
	(pc) =	sbr.ind lr, $3  }
0x3a: {  	_ = 	snop  }
0x3b: {  	_ = 	snop  }
0x3c: {  	p2 =	seq.s32 s10, $0x1;
	s10 =	sld [smem:$0x3FBA]  }
0x3d: {  	_ =	shalt  }
0x3e: {  	_ =	shalt  }
0x3f: {  	_ =	shalt  }
0x40: {  	_ =	shalt  }
0x41: {  	_ =	shalt  }
0x42: {  	_ =	shalt  }
0x43: {  	_ =	shalt  }
0x44: {  	_ =	shalt  }
0x45: {  	_ =	shalt  }
0x46: {  	_ =	shalt  }
0x47: {  	_ =	shalt  }
0x48: {  	_ =	shalt  }
0x49: {  	_ =	shalt  }
0x4a: {  	_ =	shalt  }
0x4b: {  	_ =	shalt  }
0x4c: {  	_ =	shalt  }
0x4d: {  	_ =	shalt  }
0x4e: {  	_ =	shalt  }
0x4f: {  	_ =	shalt  }
0x50: {  	_ =	shalt  }
0x51: {  	_ =	shalt  }
0x52: {  	_ =	shalt  }
0x53: {  	_ =	shalt  }
0x54: {  	_ =	shalt  }
0x55: {  	_ =	shalt  }
0x56: {  	_ =	shalt  }
0x57: {  	_ =	shalt  }
0x58: {  	_ =	shalt  }
0x59: {  	_ =	shalt  }
0x5a: {  	_ =	shalt  }
0x5b: {  	_ =	shalt  }
0x5c: {  	_ =	shalt  }
0x5d: {  	_ =	shalt  }
0x5e: {  	_ =	shalt  }
0x5f: {  	_ =	shalt  }
0x60: {  	_ =	shalt  }
0x61: {  	_ =	shalt  }
0x62: {  	_ =	shalt  }
0x63: {  	_ =	shalt  }
0x64: {  	_ =	shalt  }
0x65: {  	_ =	shalt  }
0x66: {  	_ =	shalt  }
0x67: {  	_ =	shalt  }
0x68: {  	_ =	shalt  }
0x69: {  	_ =	shalt  }
0x6a: {  	_ =	shalt  }
0x6b: {  	_ =	shalt  }
0x6c: {  	_ =	shalt  }
0x6d: {  	_ =	shalt  }
0x6e: {  	_ =	shalt  }
0x6f: {  	_ =	shalt  }
0x70: {  	_ =	shalt  }
0x71: {  	_ =	shalt  }
0x72: {  	_ =	shalt  }
0x73: {  	_ =	shalt  }
0x74: {  	_ =	shalt  }
0x75: {  	_ =	shalt  }
0x76: {  	_ =	shalt  }
0x77: {  	_ =	shalt  }
0x78: {  	_ =	shalt  }
0x79: {  	_ =	shalt  }
0x7a: {  	_ =	shalt  }
0x7b: {  	_ =	shalt  }
0x7c: {  	_ =	shalt  }
0x7d: {  	_ =	shalt  }
0x7e: {  	_ =	shalt  }
0x7f: {  	_ =	shalt  }
0x80: {  	_ =	shalt  }
0x81: {  	_ =	shalt  }
0x82: {  	_ =	shalt  }
0x83: {  	_ =	shalt  }
0x84: {  	_ =	shalt  }
0x85: {  	_ =	shalt  }
0x86: {  	_ =	shalt  }
0x87: {  	_ =	shalt  }
.Lfunc_end0:
.L_simem_size_0:
called_computation.1_lowered:
.L_overlay_start_0:
0x88: {  	s2 =	sld [smem:$0x3FD9]  }
0x89: {  	s3 =	sld [smem:$0x3FFE];
	_ =	sdelay $0x1  }
0x8a: {  	s1 =	srdreg.scid  }
0x8b: {  	s0 =	sand.u32 $0x1, s1  }
0x8c: {  	s17 =	sshll.u32 s0, $0xA;
	s2 =	sadd.s32 s3, s2  }
0x8d: {  	s2 =	sadd.s32 s2, s17  }
0x8e: {  	[smem:$0x3FC6] =	sst s2  }
0x8f: {  	_ = 	snop  }
0x90: {  	s2 =	sld [smem:$0x3FD0];
	(tm) =	ssettm $0x1  }
0x91: {  	s18 =	sld [smem:$0x3FFB];
	_ =	sdelay $0x3  }
0x92: {  	_ =	strace s18  }
0x93: {  	s3 =	sld [smem:$0x3FFC];
	_ =	sdelay $0x3  }
0x94: {  	_ =	strace s3  }
0x95: {  	s3 =	sld [smem:$0x3FFD];
	_ =	sdelay $0x3  }
0x96: {  	_ =	strace s3  }
0x97: {  	_ =	strace $0x8FFFFFFF  }
0x98: {  	s19 =	sld [smem:$0x3FDB];
	_ =	sdelay $0x1  }
0x99: {  	s4 =	simm.s32 $_scs_section_size  }
0x9a: {  	s5 =	simm.s32 $_size__tile_overlayer_lowered;
	s6 =	simm.s32 $_tile_overlayer_lowered  }
0x9b: {  	s22 =	simm.s32 $0x1BFF;
	s21 =	sshll.u32 s6, $0x1;
	s3 =	sadd.s32 s4, s19  }
0x9c: {  	s7 =	simm.s32 $0x0;
	s20 =	sshll.u32 s5, $0x1;
	s5 =	sadd.s32 s21, s3  }
0x9d: {  	[timem:s7], [sflag:s22] =	dma.local [hbm:s5], s20  }
0x9e: {  	_ =	swait.ge [sflag:s22], s20  }
0x9f: {  	s4 =	ssub.s32 $0x0, s20;
	[sflag:s22] =	ssyncset.done $0x0  }
0xa0: {  	[sflag:s22] =	ssyncadd.s32 s4;
	_ =	sdelay $0x1  }
0xa1: {  	s23 =	simm.s32 $0x1B8B  }
0xa2: {  	_ =	swait.ge [sflag:s23], $0x1  }
0xa3: {  	[sflag:s23] =	ssyncset.done $0x0  }
0xa4: {  	s25 =	simm.s32 $0x1B8E;
	s24 =	sld [smem:$0x3FFE];
	[sflag:s23] =	ssyncadd.s32 $0xFFFFFFFF  }
0xa5: {  	s26 =	simm.s32 $execute0_lowered;
	[smem:$0x3FD2] =	sst s25  }
0xa6: {  	s5 =	sshll.u32 s26, $0x1;
	_ =	strace $0x80000049;
	[dreg:$0x1] =	wrdreg $0xFFFFFFFF  }
0xa7: {  	s28 =	simm.s32 $_size_execute0_lowered;
	s3 =	sadd.s32 s3, s5;
	[dreg:$0x0] =	wrdreg $0x0  }
0xa8: {  	s5 =	sshll.u32 s28, $0x1;
	[dreg:$0x2] =	wrdreg s3  }
0xa9: {  	[dreg:$0x3] =	wrdreg s5  }
0xaa: {  	[dreg:$0x4] =	wrdreg $0xC0  }
0xab: {  	_ =	task [dreg:s7], $0x5FFFF  }
0xac: {  	[dreg:$0x1] =	wrdreg $0xFFFFFFFF  }
0xad: {  	[dreg:$0x0] =	wrdreg $0x60  }
0xae: {  	[dreg:$0x2] =	wrdreg s2  }
0xaf: {  	[dreg:$0x3] =	wrdreg s24  }
0xb0: {  	[dreg:$0x4] =	wrdreg $0x9  }
0xb1: {  	_ =	task.clear_ibuf [dreg:s7], $0x5FFFF;
	_ =	strace $0x90000049  }
0xb2: {  	s29 =	simm.s32 $0x9;
	_ =	strace $0x80000052  }
0xb3: {  	_ =	swait.ge [sflag:s29], $0x1  }
0xb4: {  	[sflag:s29] =	ssyncadd.s32 $0xFFFFFFFF  }
0xb5: {  	_ =	strace $0x90000052  }
0xb6: {  	_ =	sfence  }
0xb7: {  	s30 =	sld [smem:$0x0];
	_ =	sdelay $0x2  }
0xb8: {  	s31 =	sshll.u32 s1, $0xD;
	s1 =	sshrl.u32 s1, $0x2  }
0xb9: {  	s3 =	sand.u32 $0x4000, s31;
	s1 =	sadd.s32 s1, s30  }
0xba: {  	s0 =	sor.u32 s3, s0;
	s1 =	sshll.u32 s1, $0x11  }
0xbb: {  	s0 =	sor.u32 s1, s0  }
0xbc: {  	s0 =	sadd.s32 $0x8F2B, s0  }
0xbd: {  	[sflag:s0] =	ssyncadd.remote.s32 $0x1  }
0xbe: {  	_ =	sfence.sel $0xFFFF  }
0xbf: {  	[dreg:$0x0] =	wrdreg $0xFFFFFFFF;
	(pc) =	sbr.abs _section_cstart, $3  }
0xc0: {  	[dreg:$0x1] =	wrdreg $0xFFFFFFFF  }
0xc1: {  	_ =	task.clear_ibuf [dreg:s7], $0x2FFFF;
	_ =	strace $0x9FFFFFFF  }
0xc2: {  	(tm) =	ssettm $0x7FFFFFFF  }
0xc3: {  	_ =	shalt  }
tec
execute0_lowered:
.L_overlay_start_1:
0x0: {  	(tag) =	ssettag $0x1  }
0x1: {  	s1 =	rddreg [dreg:$0x0]  }
0x2: {  	s5 =	rddreg [dreg:$0x1]  }
0x3: {  	s0 =	rddreg [dreg:$0x2];
	s2 =	simm.s32 $0x0;
	s3 =	srdreg.scid  }
0x4: {  	s10 =	simm.s32 $0x1;
	s11 =	simm.s32 $0x0;
	[smem:$0x7FF] =	sst s2  }
0x5: {  	s4 =	sand.u32 $0x1, s3;
	s3 =	stileid.u32;
	_ =	strace $0x8000004A  }
0x6: {  	s6 =	ssub.s32 $0x2, s4;
	s7 =	sshll.u32 s4, $0x4;
	s4 =	sadd.s32 $0xA00, s5  }
0x7: {  	s5 =	sadd.s32 $0xC00, s5;
	s8 =	sshrl.u32 s6, $0x1;
	s7 =	sor.u32 s3, s7  }
0x8: {  	s8 =	ssub.s32 s6, s8;
	s9 =	sshll.u32 s7, $0x12;
	s6 =	sshll.u32 s7, $0x7  }
0x9: {  	s7 =	sadd.s32 s1, s9;
	s8 =	smax.u32 s8, $0x1;
	s9 =	simm.s32 $0x80  }
.LBB2_1:
0xa: {  	[tilespmem:s2], [sflag:$0x1] =	stream.linear.gather [hbm4b:s4+s2], $0x80, $0x38;
	[tilespmem:$0x10080] =	vst v63  }
0xb: {  	_ =	swait.ge [sflag:s10], $0x80  }
0xc: {  	[sflag:s10] =	ssyncset.done $0x0  }
0xd: {  	s13 =	simm.s32 $0x0;
	s12 =	simm.s32 $0x0;
	[sflag:s10] =	ssyncadd.s32 $0xFFFFFF80  }
0xe: {  	s14 =	simm.s32 $0x0;
	s15 =	simm.s32 $0x0;
	_ =	strace $0x8000004B  }
0xf: {  	[tilespmem:s9], [sflag:$0x1] =	stream.linear.gather [hbm4b:s7+s2], $0x4000, $0x200038;
	[tilespmem:$0x10080] =	vst v63  }
0x10: {  	s16 =	simm.s32 $0x1;
	s17 =	simm.s32 $0x0;
	_ =	strace $0x9000004B  }
.LBB2_2:
0x11: {  	s20 =	smov.u32 s13;
	s13 =	sadd.s32 $0x1, s13  }
0x12: {  	p0 =	seq.s32 s13, $0x80  }
0x13: {  	s13 =	simm.s32 @p0 $0x0  }
0x14: {  	p6 =	sne.s32 s17, $0x7F;
	p1 =	sne.s32 s20, s13  }
0x15: {  	p0 =	por !p6, !p1  }
0x16: {  	p0 =	por !p0, !p0  }
0x17: {  	s19 =	sadd.s32 @p0 s6, s13  }
0x18: {  	s18 =	sand.u32 @p0 $0x1, s16;
	_ =	strace @p0 $0x8000004C;
	s19 =	sshll.u32 @p0 s19, $0xB  }
0x19: {  	s22 =	simm.s32 @p0 $0x0;
	s21 =	sshll.u32 @p0 s18, $0xE;
	s19 =	sand.u32 @p0 $0x1FFFF800, s19  }
0x1a: {  	s18 =	sadd.s32 @p0 $0x1, s18;
	s21 =	sor.u32 @p0 $0x80, s21;
	s19 =	sadd.s32 @p0 s1, s19  }
0x1b: {  	[tilespmem:s21], [sflag:s18] =	stream.linear.gather @p0 [hbm4b:s19+s22], $0x4000, $0x200038;
	[tilespmem:$0x10080] =	vst v63  }
0x1c: {  	s29 =	sand.u32 $0x1, s15;
	_ =	strace @p0 $0x9000004C  }
0x1d: {  	s30 =	sadd.s32 $0x1, s29;
	_ =	strace $0x8000004D  }
0x1e: {  	_ =	swait.ge [sflag:s30], $0x4000  }
0x1f: {  	[sflag:s30] =	ssyncset.done $0x0  }
0x20: {  	[sflag:s30] =	ssyncadd.s32 $0xFFFFC000  }
0x21: {  	_ =	strace $0x9000004D  }
0x22: {  	_ =	strace $0x8000004E  }
0x23: {  	v0 =	vld [tilespmem:$0x0];
	_ =	sdelay $0x4  }
0x24: {  	(erf) = vrcp.f32 v0;
	_ =	sdelay $0x2  }
0x25: {  	s18 =	sshll.u32 s29, $0xE  }
0x26: {  	s23 =	sor.u32 $0xC0, s18  }
0x27: {  	v1 =	vld [tilespmem:s23+$0xFFFFFFC0];
	_ =	sdelay $0x3  }
0x28: {  	s18 =	sand.u32 $0x1, s14;
	v0 =	vpop (erf)  }
0x29: {  	s31 =	sshll.u32 s18, $0xE;
	v1 =	vmul.f32 v1, v0  }
0x2a: {  	s19 =	sor.u32 $0x80C0, s31  }
0x2b: {  	[tilespmem:s19+$0xFFFFFFC0] =	vst v1  }
0x2c: {  	v1 =	vld [tilespmem:s23+$0xFFFFFFD0];
	_ =	sdelay $0x4  }
0x2d: {  	v1 =	vmul.f32 v1, v0;
	_ =	sdelay $0x1  }
0x2e: {  	[tilespmem:s19+$0xFFFFFFD0] =	vst v1  }
0x2f: {  	v1 =	vld [tilespmem:s23+$0xFFFFFFE0];
	_ =	sdelay $0x4  }
0x30: {  	v1 =	vmul.f32 v1, v0;
	_ =	sdelay $0x1  }
0x31: {  	[tilespmem:s19+$0xFFFFFFE0] =	vst v1  }
0x32: {  	v1 =	vld [tilespmem:s23+$0xFFFFFFF0];
	_ =	sdelay $0x4  }
0x33: {  	v1 =	vmul.f32 v1, v0;
	_ =	sdelay $0x1  }
0x34: {  	[tilespmem:s19+$0xFFFFFFF0] =	vst v1  }
0x35: {  	v1 =	vld [tilespmem:s23+$0x0];
	_ =	sdelay $0x4  }
0x36: {  	v1 =	vmul.f32 v1, v0;
	_ =	sdelay $0x1  }
0x37: {  	[tilespmem:s19+$0x0] =	vst v1  }
0x38: {  	v1 =	vld [tilespmem:s23+$0x10];
	_ =	sdelay $0x4  }
0x39: {  	v1 =	vmul.f32 v1, v0;
	_ =	sdelay $0x1  }
0x3a: {  	[tilespmem:s19+$0x10] =	vst v1  }
0x3b: {  	v1 =	vld [tilespmem:s23+$0x20];
	_ =	sdelay $0x4  }
0x3c: {  	v1 =	vmul.f32 v1, v0;
	_ =	sdelay $0x1  }
0x3d: {  	[tilespmem:s19+$0x20] =	vst v1  }
0x3e: {  	v1 =	vld [tilespmem:s23+$0x30];
	_ =	sdelay $0x4  }
0x3f: {  	v1 =	vmul.f32 v1, v0  }
0x40: {  	s21 =	sadd.s32 s6, s20  }
0x41: {  	s22 =	simm.s32 $0x0;
	s20 =	sor.u32 $0x8080, s31;
	s23 =	sadd.s32 $0x80, s23;
	[tilespmem:s19+$0x30] =	vst v1  }
.LBB2_3:
0x42: {  	v1 =	vld [tilespmem:s23+$0xFFFFFFC0];
	s22 =	sadd.s32 $0x8, s22  }
0x43: {  	p2 =	slt.u32 s22, $0x3F8;
	_ =	sdelay $0x3  }
0x44: {  	v1 =	vmul.f32 v1, v0  }
0x45: {  	s19 =	sadd.s32 $0x80, s19  }
0x46: {  	[tilespmem:s19+$0xFFFFFFC0] =	vst v1  }
0x47: {  	v1 =	vld [tilespmem:s23+$0xFFFFFFD0];
	_ =	sdelay $0x4  }
0x48: {  	v1 =	vmul.f32 v1, v0;
	_ =	sdelay $0x1  }
0x49: {  	[tilespmem:s19+$0xFFFFFFD0] =	vst v1  }
0x4a: {  	v1 =	vld [tilespmem:s23+$0xFFFFFFE0];
	_ =	sdelay $0x4  }
0x4b: {  	v1 =	vmul.f32 v1, v0;
	_ =	sdelay $0x1  }
0x4c: {  	[tilespmem:s19+$0xFFFFFFE0] =	vst v1  }
0x4d: {  	v1 =	vld [tilespmem:s23+$0xFFFFFFF0];
	_ =	sdelay $0x4  }
0x4e: {  	v1 =	vmul.f32 v1, v0;
	_ =	sdelay $0x1  }
0x4f: {  	[tilespmem:s19+$0xFFFFFFF0] =	vst v1  }
0x50: {  	v1 =	vld [tilespmem:s23+$0x0];
	_ =	sdelay $0x4  }
0x51: {  	v1 =	vmul.f32 v1, v0;
	_ =	sdelay $0x1  }
0x52: {  	[tilespmem:s19+$0x0] =	vst v1  }
0x53: {  	v1 =	vld [tilespmem:s23+$0x10];
	_ =	sdelay $0x4  }
0x54: {  	v1 =	vmul.f32 v1, v0;
	_ =	sdelay $0x1  }
0x55: {  	[tilespmem:s19+$0x10] =	vst v1  }
0x56: {  	v1 =	vld [tilespmem:s23+$0x20];
	_ =	sdelay $0x4  }
0x57: {  	v1 =	vmul.f32 v1, v0;
	_ =	sdelay $0x1  }
0x58: {  	[tilespmem:s19+$0x20] =	vst v1  }
0x59: {  	v1 =	vld [tilespmem:s23+$0x30];
	_ =	sdelay $0x2  }
.Ltmp0:
0x5a: {  	(pc) =	sbr.rel @p2 .LBB2_3-.Ltmp0, $3  }
0x5b: {  	_ = 	snop  }
0x5c: {  	v1 =	vmul.f32 v1, v0;
	_ =	sdelay $0x1  }
0x5d: {  	s23 =	sadd.s32 $0x80, s23;
	[tilespmem:s19+$0x30] =	vst v1  }
0x5e: {  	p2 =	seq.s32 s17, $0x7F  }
0x5f: {  	p1 =	por p2, p1  }
0x60: {  	_ =	strace $0x9000004E;
	s19 =	sshll.u32 @p1 s21, $0xB  }
0x61: {  	_ =	strace @p1 $0x8000004F;
	s19 =	sand.u32 @p1 $0x1FFFF800, s19  }
0x62: {  	s18 =	sadd.s32 @p1 $0x3, s18;
	s21 =	simm.s32 @p1 $0x0;
	s19 =	sadd.s32 @p1 s5, s19  }
0x63: {  	[hbm4b:s19+s21] =	stream.linear.scatter @p1 [tilespmem:s20], [sflag:s18], $0x4000, $0x200038;
	[tilespmem:$0x10080] =	vst v63  }
0x64: {  	s18 =	simm.s32 $0x1  }
0x65: {  	s20 =	simm.s32 $0x1;
	s18 =	simm.s32 @!p0 $0x0;
	p0 =	seq.s32 s17, $0x0  }
0x66: {  	_ =	strace @p1 $0x9000004F;
	s16 =	sadd.s32 s18, s16;
	s18 =	simm.s32 $0x1  }
0x67: {  	s18 =	simm.s32 @!p1 $0x0;
	p1 =	sne.s32 s17, $0x0;
	s17 =	sadd.s32 $0x1, s17  }
0x68: {  	s19 =	sand.u32 @!p0 $0x1, s12;
	s20 =	simm.s32 @!p1 $0x0;
	p1 =	sne.s32 s17, $0x80  }
.Ltmp1:
0x69: {  	_ =	strace @!p0 $0x80000050;
	s19 =	sadd.s32 @!p0 $0x3, s19;
	(pc) =	sbr.rel @p1 .LBB2_2-.Ltmp1, $4  }
0x6a: {  	_ =	swait.ge @!p0 [sflag:s19], $0x4000  }
0x6b: {  	[sflag:s19] =	ssyncset.done @!p0 $0x0  }
0x6c: {  	s14 =	sadd.s32 s18, s14;
	[sflag:s19] =	ssyncadd.s32 @!p0 $0xFFFFC000  }
0x6d: {  	s15 =	sadd.s32 s18, s15;
	s12 =	sadd.s32 s20, s12;
	_ =	strace @!p0 $0x90000050  }
0x6e: {  	s11 =	sadd.s32 $0x1, s11  }
0x6f: {  	s12 =	sand.u32 $0x1, s12;
	p0 =	sne.s32 s11, s8  }
.Ltmp2:
0x70: {  	_ =	strace $0x80000051;
	s12 =	sadd.s32 $0x3, s12;
	(pc) =	sbr.rel @p0 .LBB2_1-.Ltmp2, $4  }
0x71: {  	_ =	swait.ge [sflag:s12], $0x4000  }
0x72: {  	[sflag:s12] =	ssyncset.done $0x0  }
0x73: {  	[sflag:s12] =	ssyncadd.s32 $0xFFFFC000  }
0x74: {  	_ =	strace $0x90000051  }
0x75: {  	_ =	sfence.sel $0x180000  }
0x76: {  	[bflag:$0x0] =	sbarrier.arrive $0xFFFF  }
0x77: {  	p0 =	sne.s32 s3, $0x0;
	_ =	strace $0x9000004A  }
0x78: {  	s0 =	sadd.s32 @!p0 $0x100000, s0;
	[bflag:$0x2] =	sbarrier.arrive $0xFFFF  }
0x79: {  	[sflag:s0] =	ssyncadd.tile.s32 @!p0 $0x1;
	_ =	shalt  }
.Lfunc_end2:
_tile_overlayer_lowered:
.L_overlay_start_2:
0x7a: {  	(tag) =	ssettag $0x2  }
0x7b: {  	s0 =	rddreg [dreg:$0x0];
	s2 =	stileid.u32  }
0x7c: {  	s1 =	rddreg [dreg:$0x1];
	p0 =	sne.s32 s2, $0x0  }
0x7d: {  	s3 =	rddreg [dreg:$0x2];
	[bflag:$0x3] =	sbarrier.arrive $0xFFFF;
	s2 =	simm.s32 @!p0 $0x1C01  }
0x7e: {  	[timem:s3], [sflag:s2] =	dma.local @!p0 [hbm:s0], s1  }
0x7f: {  	s0 =	simm.s32 @!p0 $0x1  }
0x80: {  	_ =	swait.ge @!p0 [sflag:s0], s1  }
0x81: {  	s1 =	ssub.s32 @!p0 $0x0, s1;
	[sflag:s0] =	ssyncset.done @!p0 $0x0  }
0x82: {  	[sflag:s0] =	ssyncadd.s32 @!p0 s1  }
0x83: {  	[bflag:$0x3] =	sbarrier.arrive $0xFFFF  }
0x84: {  	_ =	shalt  }

// kernel: sparse-core-data-format-call.cloned.1.call-start
scs
called_computation_lowered:
.L_overlay_start_0:
0x0: {  	s2 =	sld [smem:$0x3FD9]  }
0x1: {  	s3 =	sld [smem:$0x3FFE];
	_ =	sdelay $0x1  }
0x2: {  	s1 =	srdreg.scid  }
0x3: {  	s0 =	sand.u32 $0x1, s1  }
0x4: {  	s19 =	sshll.u32 s0, $0xA;
	s2 =	sadd.s32 s3, s2  }
0x5: {  	s2 =	sadd.s32 s2, s19  }
0x6: {  	[smem:$0x3FC6] =	sst s2  }
0x7: {  	_ = 	snop  }
0x8: {  	s2 =	sld [smem:$0x3FC9]  }
0x9: {  	s20 =	sld [smem:$0x3FD0];
	(tm) =	ssettm $0x1  }
0xa: {  	s4 =	sld [smem:$0x3FFB];
	_ =	sdelay $0x3  }
0xb: {  	_ =	strace s4  }
0xc: {  	s4 =	sld [smem:$0x3FFC];
	_ =	sdelay $0x3  }
0xd: {  	_ =	strace s4  }
0xe: {  	s4 =	sld [smem:$0x3FFD];
	_ =	sdelay $0x3  }
0xf: {  	_ =	strace s4  }
0x10: {  	_ =	strace $0x8FFFFFFF  }
0x11: {  	s21 =	sld [smem:$0x3FDB];
	_ =	sdelay $0x1  }
0x12: {  	s5 =	simm.s32 $_scs_section_size  }
0x13: {  	s6 =	simm.s32 $_size__tile_overlayer_lowered;
	s7 =	simm.s32 $_tile_overlayer_lowered  }
0x14: {  	s24 =	simm.s32 $0x1BFF;
	s23 =	sshll.u32 s7, $0x1;
	s4 =	sadd.s32 s5, s21  }
0x15: {  	s8 =	simm.s32 $0x0;
	s22 =	sshll.u32 s6, $0x1;
	s6 =	sadd.s32 s23, s4  }
0x16: {  	[timem:s8], [sflag:s24] =	dma.local [hbm:s6], s22  }
0x17: {  	_ =	swait.ge [sflag:s24], s22  }
0x18: {  	s5 =	ssub.s32 $0x0, s22;
	[sflag:s24] =	ssyncset.done $0x0  }
0x19: {  	[sflag:s24] =	ssyncadd.s32 s5;
	_ =	sdelay $0x1  }
0x1a: {  	s25 =	simm.s32 $0x1B8B  }
0x1b: {  	_ =	swait.ge [sflag:s25], $0x1  }
0x1c: {  	[sflag:s25] =	ssyncset.done $0x0  }
0x1d: {  	s26 =	simm.s32 $0x1B8E;
	[sflag:s25] =	ssyncadd.s32 $0xFFFFFFFF  }
0x1e: {  	s27 =	simm.s32 $execute0_lowered;
	[smem:$0x3FD2] =	sst s26  }
0x1f: {  	s5 =	sshll.u32 s27, $0x1;
	_ =	strace $0x80000046;
	[dreg:$0x1] =	wrdreg $0xFFFFFFFF  }
0x20: {  	s28 =	simm.s32 $_size_execute0_lowered;
	s4 =	sadd.s32 s4, s5;
	[dreg:$0x0] =	wrdreg $0x0  }
0x21: {  	s5 =	sshll.u32 s28, $0x1;
	[dreg:$0x2] =	wrdreg s4  }
0x22: {  	[dreg:$0x3] =	wrdreg s5  }
0x23: {  	[dreg:$0x4] =	wrdreg $0xC0  }
0x24: {  	_ =	task [dreg:s8], $0x5FFFF  }
0x25: {  	[dreg:$0x1] =	wrdreg $0xFFFFFFFF  }
0x26: {  	[dreg:$0x0] =	wrdreg $0x60  }
0x27: {  	[dreg:$0x2] =	wrdreg s2  }
0x28: {  	[dreg:$0x3] =	wrdreg s20  }
0x29: {  	[dreg:$0x4] =	wrdreg $0x9  }
0x2a: {  	_ =	task.clear_ibuf [dreg:s8], $0x5FFFF;
	_ =	strace $0x90000046  }
0x2b: {  	s29 =	simm.s32 $0x9;
	_ =	strace $0x80000048  }
0x2c: {  	_ =	swait.ge [sflag:s29], $0x1  }
0x2d: {  	[sflag:s29] =	ssyncadd.s32 $0xFFFFFFFF  }
0x2e: {  	_ =	strace $0x90000048  }
0x2f: {  	_ =	sfence  }
0x30: {  	s30 =	sld [smem:$0x0];
	_ =	sdelay $0x2  }
0x31: {  	s31 =	sshll.u32 s1, $0xD;
	s1 =	sshrl.u32 s1, $0x2  }
0x32: {  	s3 =	sand.u32 $0x4000, s31;
	s1 =	sadd.s32 s1, s30  }
0x33: {  	s0 =	sor.u32 s3, s0;
	s1 =	sshll.u32 s1, $0x11  }
0x34: {  	s0 =	sor.u32 s1, s0  }
0x35: {  	s0 =	sadd.s32 $0x8F2B, s0  }
0x36: {  	[sflag:s0] =	ssyncadd.remote.s32 $0x1  }
0x37: {  	_ =	sfence.sel $0xFFFF  }
0x38: {  	[dreg:$0x0] =	wrdreg $0xFFFFFFFF;
	(pc) =	sbr.abs _section_cstart, $3  }
0x39: {  	[dreg:$0x1] =	wrdreg $0xFFFFFFFF  }
0x3a: {  	_ =	task.clear_ibuf [dreg:s8], $0x2FFFF;
	_ =	strace $0x9FFFFFFF  }
0x3b: {  	(tm) =	ssettm $0x7FFFFFFF  }
tec
execute0_lowered:
.L_overlay_start_1:
0x0: {  	(tag) =	ssettag $0x1  }
0x1: {  	s2 =	rddreg [dreg:$0x0]  }
0x2: {  	s3 =	rddreg [dreg:$0x1]  }
0x3: {  	s0 =	rddreg [dreg:$0x2];
	s4 =	srdreg.scid  }
.Ltmp0:
0x4: {  	_ =	strace $0x80000047;
	s1 =	stileid.u32;
	(pc) =	sbr.rel .LBB1_1-.Ltmp0, $4  }
0x5: {  	s6 =	simm.s32 $0x2;
	p0 =	por $0x0, $0x0;
	s5 =	sshll.u32 s4, $0x4  }
0x6: {  	s9 =	simm.s32 $0x0;
	s4 =	simm.s32 $0x1;
	s5 =	sand.u32 $0x10, s5  }
0x7: {  	s7 =	simm.s32 $0x0;
	[sflag:s4] =	ssyncpa.u1 $0x0;
	s5 =	sor.u32 s1, s5  }
0x8: {  	[sflag:s6] =	ssyncpa.u1 $0x0;
	s6 =	simm.s32 $0x0;
	s8 =	smov.u32 s5  }
.LBB1_7:
0x9: {  	s11 =	sadd.s32 $0x20, s8  }
0xa: {  	p1 =	slt.u32 s7, $0x2;
	s7 =	sadd.s32 $0x1, s7;
	p2 =	sgt.s32 s11, $0xFFF  }
0xb: {  	s11 =	smov.u32 @p2 s5;
	p2 =	sne.s32 s7, $0x82  }
.Ltmp1:
0xc: {  	_ = 	snop;
	(pc) =	sbr.rel @!p2 .LBB1_8-.Ltmp1, $4  }
0xd: {  	s10 =	simm.s32 @!p1 $0x2  }
0xe: {  	_ =	swait.ge @!p1 [sflag:s10], $0x4000  }
0xf: {  	s9 =	smov.u32 s8;
	[sflag:s10] =	ssyncset.done @!p1 $0x0  }
0x10: {  	p0 =	por !p0, !p0;
	s8 =	smov.u32 s11;
	[sflag:s10] =	ssyncadd.s32 @!p1 $0xFFFFC000  }
.LBB1_1:
0x11: {  	p1 =	sgt.u32 s7, $0x7F  }
0x12: {  	s10 =	sxor.u32 @!p1 $0xFFFFFFFF, s7  }
0x13: {  	s11 =	sshll.u32 @!p1 s8, $0xB;
	s10 =	sshll.u32 @!p1 s10, $0xE  }
0x14: {  	s12 =	simm.s32 @!p1 $0x0;
	s11 =	sadd.s32 @!p1 s2, s11;
	s10 =	sand.u32 @!p1 $0x4000, s10  }
0x15: {  	[tilespmem:s10], [sflag:$0x1] =	stream.linear.gather @!p1 [hbm4b:s11+s12], $0x4000, $0x38;
	[tilespmem:$0x10000] =	vst v63  }
0x16: {  	p1 =	seq.s32 s7, $0x0  }
0x17: {  	p2 =	seq.s32 @!p1 s7, $0x81  }
0x18: {  	p1 =	por p1, p2  }
.Ltmp2:
0x19: {  	_ = 	snop;
	(pc) =	sbr.rel @p1 .LBB1_7-.Ltmp2, $1  }
0x1a: {  	_ =	sdelay $0x3  }
0x1b: {  	s10 =	simm.s32 $0x1;
	_ =	swait.ge [sflag:s4], $0x4000;
	s12 =	sshll.u32 s7, $0xE  }
0x1c: {  	s13 =	simm.s32 $0x0;
	s10 =	simm.s32 @!p0 $0x0;
	[sflag:s4] =	ssyncset.done $0x0  }
0x1d: {  	s12 =	sand.u32 $0x4000, s12;
	s11 =	sshll.u32 s10, $0xE;
	[sflag:s4] =	ssyncadd.s32 $0xFFFFC000  }
0x1e: {  	s12 =	sor.u32 $0x8000, s12;
	s10 =	sor.u32 $0x8040, s11;
	s11 =	sor.u32 $0x40, s11  }
.LBB1_3:
0x1f: {  	v0 =	vmov s11;
	_ =	sdelay $0x3  }
0x20: {  	s15 =	simm.s32 $0x0  }
0x21: {  	v6 =	vld.idx.msk [tilespmem:v0+s15+$0x30 ss:$0x1], $0xffff  }
0x22: {  	v7 =	vld.idx.msk [tilespmem:v0+s15+$0xFFFFFFC0 ss:$0x1], $0xffff  }
0x23: {  	v5 =	vld.idx.msk [tilespmem:v0+s15+$0xFFFFFFD0 ss:$0x1], $0xffff  }
0x24: {  	v4 =	vld.idx.msk [tilespmem:v0+s15+$0xFFFFFFE0 ss:$0x1], $0xffff  }
0x25: {  	v3 =	vld.idx.msk [tilespmem:v0+s15+$0xFFFFFFF0 ss:$0x1], $0xffff  }
0x26: {  	v1 =	vld.idx.msk [tilespmem:v0+s15+$0x0 ss:$0x1], $0xffff  }
0x27: {  	v2 =	vld.idx.msk [tilespmem:v0+s15+$0x10 ss:$0x1], $0xffff;
	[tilespmem:s10+$0x30] =	vst v6  }
0x28: {  	s14 =	simm.s32 $0x80;
	s16 =	simm.s32 $0x400;
	[tilespmem:s10+$0xFFFFFFC0] =	vst v7;
	v6 =	vld.idx.msk [tilespmem:v0+s15+$0x20 ss:$0x1], $0xffff;
	s15 =	smov.u32 s10  }
.LBB1_4:
0x29: {  	p1 =	sne.s32 s16, $0xE00;
	v7 =	vld.idx.msk [tilespmem:v0+s14+$0x30 ss:$0x1], $0xffff;
	[tilespmem:s15+$0xFFFFFFD0] =	vst v5  }
0x2a: {  	v8 =	vld.idx.msk [tilespmem:v0+s14+$0xFFFFFFC0 ss:$0x1], $0xffff;
	[tilespmem:s15+$0xFFFFFFE0] =	vst v4  }
0x2b: {  	v5 =	vld.idx.msk [tilespmem:v0+s14+$0xFFFFFFD0 ss:$0x1], $0xffff;
	[tilespmem:s15+$0xFFFFFFF0] =	vst v3  }
.Ltmp3:
0x2c: {  	v4 =	vld.idx.msk [tilespmem:v0+s14+$0xFFFFFFE0 ss:$0x1], $0xffff;
	[tilespmem:s15+$0x0] =	vst v1;
	(pc) =	sbr.rel @p1 .LBB1_4-.Ltmp3, $4  }
0x2d: {  	v3 =	vld.idx.msk [tilespmem:v0+s14+$0xFFFFFFF0 ss:$0x1], $0xffff;
	[tilespmem:s15+$0x10] =	vst v2  }
0x2e: {  	v1 =	vld.idx.msk [tilespmem:v0+s14+$0x0 ss:$0x1], $0xffff;
	[tilespmem:s15+$0x20] =	vst v6;
	s15 =	sadd.s32 $0x800, s15  }
0x2f: {  	v2 =	vld.idx.msk [tilespmem:v0+s14+$0x10 ss:$0x1], $0xffff;
	[tilespmem:s15+$0x30] =	vst v7  }
0x30: {  	[tilespmem:s15+$0xFFFFFFC0] =	vst v8;
	v6 =	vld.idx.msk [tilespmem:v0+s14+$0x20 ss:$0x1], $0xffff;
	s14 =	sshra.s32 s16, $0x2;
	s16 =	sadd.s32 $0x200, s16  }
0x31: {  	_ =	sdelay $0x2  }
0x32: {  	[tilespmem:s15+$0xFFFFFFD0] =	vst v5  }
0x33: {  	v56 =	vld.idx.msk [tilespmem:v0+s14+$0x30 ss:$0x1], $0xffff;
	[tilespmem:s15+$0xFFFFFFE0] =	vst v4  }
0x34: {  	v57 =	vld.idx.msk [tilespmem:v0+s14+$0xFFFFFFC0 ss:$0x1], $0xffff;
	[tilespmem:s15+$0xFFFFFFF0] =	vst v3  }
0x35: {  	v58 =	vld.idx.msk [tilespmem:v0+s14+$0xFFFFFFD0 ss:$0x1], $0xffff;
	[tilespmem:s15+$0x0] =	vst v1  }
0x36: {  	v59 =	vld.idx.msk [tilespmem:v0+s14+$0xFFFFFFE0 ss:$0x1], $0xffff;
	[tilespmem:s15+$0x10] =	vst v2  }
0x37: {  	v60 =	vld.idx.msk [tilespmem:v0+s14+$0xFFFFFFF0 ss:$0x1], $0xffff;
	s31 =	sadd.s32 $0x800, s15;
	[tilespmem:s15+$0x20] =	vst v6  }
0x38: {  	v61 =	vld.idx.msk [tilespmem:v0+s14+$0x0 ss:$0x1], $0xffff;
	[tilespmem:s31+$0x30] =	vst v56  }
0x39: {  	v62 =	vld.idx.msk [tilespmem:v0+s14+$0x10 ss:$0x1], $0xffff;
	s13 =	sadd.s32 $0x1, s13;
	[tilespmem:s31+$0xFFFFFFC0] =	vst v57  }
0x3a: {  	v63 =	vld.idx.msk [tilespmem:v0+s14+$0x20 ss:$0x1], $0xffff;
	p1 =	sne.s32 s13, $0x10;
	[tilespmem:s31+$0xFFFFFFD0] =	vst v58  }
.Ltmp4:
0x3b: {  	[tilespmem:s31+$0xFFFFFFE0] =	vst v59;
	(pc) =	sbr.rel @p1 .LBB1_3-.Ltmp4, $4  }
0x3c: {  	[tilespmem:s31+$0xFFFFFFF0] =	vst v60  }
0x3d: {  	[tilespmem:s31+$0x0] =	vst v61  }
0x3e: {  	[tilespmem:s31+$0x10] =	vst v62  }
0x3f: {  	s10 =	sadd.s32 $0x80, s10;
	s11 =	sadd.s32 $0x400, s11;
	[tilespmem:s31+$0x20] =	vst v63  }
.Ltmp5:
0x40: {  	(pc) =	sbr.rel .LBB1_7-.Ltmp5, $4  }
0x41: {  	_ = 	snop  }
0x42: {  	s9 =	sshll.u32 s9, $0xB  }
0x43: {  	s9 =	sadd.s32 s3, s9  }
0x44: {  	[hbm4b:s9+s6] =	stream.linear.scatter [tilespmem:s12], [sflag:$0x2], $0x4000, $0x38;
	[tilespmem:$0x10000] =	vst v63  }
.LBB1_8:
0x45: {  	_ =	sfence.sel $0x180000  }
0x46: {  	s2 =	simm.s32 $0x1;
	[bflag:$0x0] =	sbarrier.arrive $0xFFFF  }
0x47: {  	s31 =	simm.s32 $0x2;
	[sflag:s2] =	ssyncpa.u1 $0x1  }
0x48: {  	[sflag:s31] =	ssyncpa.u1 $0x1  }
0x49: {  	p0 =	sne.s32 s1, $0x0;
	_ =	strace $0x90000047  }
0x4a: {  	s0 =	sadd.s32 @!p0 $0x100000, s0;
	[bflag:$0x2] =	sbarrier.arrive $0xFFFF  }
0x4b: {  	[sflag:s0] =	ssyncadd.tile.s32 @!p0 $0x1;
	_ =	shalt  }
.Lfunc_end1:
_tile_overlayer_lowered:
.L_overlay_start_2:
0x4c: {  	(tag) =	ssettag $0x2  }
0x4d: {  	s0 =	rddreg [dreg:$0x0];
	s2 =	stileid.u32  }
0x4e: {  	s1 =	rddreg [dreg:$0x1];
	p0 =	sne.s32 s2, $0x0  }
0x4f: {  	s3 =	rddreg [dreg:$0x2];
	[bflag:$0x3] =	sbarrier.arrive $0xFFFF;
	s2 =	simm.s32 @!p0 $0x1C01  }
0x50: {  	[timem:s3], [sflag:s2] =	dma.local @!p0 [hbm:s0], s1  }
0x51: {  	s0 =	simm.s32 @!p0 $0x1  }
0x52: {  	_ =	swait.ge @!p0 [sflag:s0], s1  }
0x53: {  	s1 =	ssub.s32 @!p0 $0x0, s1;
	[sflag:s0] =	ssyncset.done @!p0 $0x0  }
0x54: {  	[sflag:s0] =	ssyncadd.s32 @!p0 s1  }
0x55: {  	[bflag:$0x3] =	sbarrier.arrive $0xFFFF  }
0x56: {  	_ =	shalt  }

</sc_bundles>
